<compile_context>
chip_gen: v7x
topology: tpu7x:2x2x1
jax: 0.10.2.dev20260603
libtpu: 0.0.44.dev20260713+nightly
codegen_flags: <defaults>
</compile_context>

<pallas_src>
import jax
import jax.numpy as jnp
from jax.experimental import pallas as pl
from jax.experimental.pallas import tpu as pltpu
from jax.experimental.pallas import tpu_sc as plsc

N = 10000
E = 320000
H = 128
S = 100

NC = 2
NS = 16
CH = 128
E_PAD = 323584
NPS = 10240
NPT = 10240
RPT = NPS // NS

def _sc_mesh():
    return plsc.VectorSubcoreMesh(core_axis_name="c", subcore_axis_name="s",
                                  num_cores=NC, num_subcores=NS)



def _deg_body(dst4_h, zeros_h, ones_h, deg_h, dst_v, ones_v, deg_sp):
    c = jax.lax.axis_index("c")
    s = jax.lax.axis_index("s")
    wid = c * NS + s
    pltpu.sync_copy(ones_h, ones_v)
    pltpu.sync_copy(zeros_h.at[pl.ds(s * RPT, RPT)], deg_sp.at[pl.ds(s * RPT, RPT)])
    plsc.subcore_barrier()

    def body(i, carry):
        pltpu.sync_copy(dst4_h.at[wid].at[i], dst_v)
        pltpu.sync_copy(ones_v, deg_sp.at[dst_v], add=True)
        return carry

    jax.lax.fori_loop(0, E_PAD // (NC * NS * CH), body, 0)
    plsc.subcore_barrier()
    pltpu.sync_copy(deg_sp.at[pl.ds(s * RPT, RPT)],
                    deg_h.at[c].at[pl.ds(s * RPT, RPT)])


def _permgather_body(g_h, perm_h, gs_h, idx_v, buf_v, sem):
    c = jax.lax.axis_index("c")
    s = jax.lax.axis_index("s")

    @pl.when(c == 0)
    def _():
        base = s * 624
        pltpu.sync_copy(perm_h.at[pl.ds(base, 640)], idx_v)

        def body(k, carry):
            pltpu.async_copy(g_h.at[idx_v.at[pl.ds(k * CH, CH)]], buf_v, sem).wait()
            pltpu.sync_copy(buf_v, gs_h.at[pl.ds(base + k * CH, CH)])
            return carry

        jax.lax.fori_loop(0, 5, body, 0)


def _edge_body(t_h, src3_h, dst3_h, zeros_h, s_h,
               src_a, dst_a, buf_a, sem_a, src_b, dst_b, buf_b, sem_b, acc):
    c = jax.lax.axis_index("c")
    s = jax.lax.axis_index("s")
    pltpu.sync_copy(zeros_h.at[pl.ds(s * RPT, RPT)], acc.at[pl.ds(s * RPT, RPT)])
    plsc.subcore_barrier()

    npairs = E_PAD // (NS * CH) // 2

    pltpu.sync_copy(src3_h.at[s].at[0], src_a)
    pltpu.sync_copy(dst3_h.at[s].at[0], dst_a)
    pltpu.async_copy(t_h.at[c].at[src_a], buf_a, sem_a)

    def body(j, carry):
        i = 2 * j
        pltpu.sync_copy(src3_h.at[s].at[i + 1], src_b)
        pltpu.sync_copy(dst3_h.at[s].at[i + 1], dst_b)
        pltpu.async_copy(t_h.at[c].at[src_b], buf_b, sem_b)
        pltpu.make_async_copy(t_h.at[c].at[src_a], buf_a, sem_a).wait()
        pltpu.sync_copy(buf_a, acc.at[dst_a], add=True)

        @pl.when(j < npairs - 1)
        def _():
            pltpu.sync_copy(src3_h.at[s].at[i + 2], src_a)
            pltpu.sync_copy(dst3_h.at[s].at[i + 2], dst_a)
            pltpu.async_copy(t_h.at[c].at[src_a], buf_a, sem_a)

        pltpu.make_async_copy(t_h.at[c].at[src_b], buf_b, sem_b).wait()
        pltpu.sync_copy(buf_b, acc.at[dst_b], add=True)
        return carry

    jax.lax.fori_loop(0, npairs, body, 0)
    plsc.subcore_barrier()
    pltpu.sync_copy(acc.at[pl.ds(s * RPT, RPT)],
                    s_h.at[c].at[pl.ds(s * RPT, RPT)])



def _matmul_body(x_ref, w_ref, o_ref):
    o_ref[...] = jnp.dot(x_ref[...], w_ref[...], preferred_element_type=jnp.float32)


def _table_body(g_ref, gs_ref, deg_ref, b_ref, t_ref, isd_ref):
    deg = deg_ref[0, :, :1] + deg_ref[1, :, :1]
    isd = jax.lax.rsqrt(jnp.maximum(deg, 1.0))
    b = b_ref[...]
    t_ref[0] = (g_ref[...] + b) * isd
    t_ref[1] = (gs_ref[...] + b) * isd
    isd_ref[...] = isd


def _embed_body(s_ref, isd_ref, adj_ref, norm_ref, pos_ref, neg_ref, ge_ref, acc):
    i = pl.program_id(0)
    blk = s_ref.shape[1]
    isd = isd_ref[...]
    rows = jax.lax.broadcasted_iota(jnp.int32, (blk, 1), 0) + i * blk
    valid = rows < N
    pos = jnp.where(valid, jnp.maximum(s_ref[0] * isd, 0.0), 0.0)
    neg = jnp.where(valid, jnp.maximum(s_ref[1] * isd, 0.0), 0.0)
    pos_ref[...] = pos
    neg_ref[...] = neg
    part = jnp.dot(adj_ref[...], pos, preferred_element_type=jnp.float32)

    @pl.when(i == 0)
    def _():
        acc[...] = part

    @pl.when(i > 0)
    def _():
        acc[...] += part

    @pl.when(i == pl.num_programs(0) - 1)
    def _():
        ge_ref[...] = jnp.maximum(acc[...] / norm_ref[...], 0.0)


def _loss_body(pos_ref, neg_ref, ge_ref, g_ref, ploss_ref, nloss_ref):
    ge = ge_ref[...]
    g = g_ref[...]
    P = jax.lax.dot_general(pos_ref[...], ge, (((1,), (1,)), ((), ())),
                            preferred_element_type=jnp.float32)
    Q = jax.lax.dot_general(neg_ref[...], ge, (((1,), (1,)), ((), ())),
                            preferred_element_type=jnp.float32)
    mask = (jax.lax.broadcasted_iota(jnp.int32, P.shape, 1) == g).astype(jnp.float32)
    sp = jnp.sum(P * mask, axis=1, keepdims=True)
    sn = jnp.sum(Q * mask, axis=1, keepdims=True)

    def softplus(x):
        return jnp.maximum(x, 0.0) + jnp.log1p(jnp.exp(-jnp.abs(x)))

    ploss_ref[...] = softplus(-sp)
    nloss_ref[...] = softplus(sn)



def kernel(features, subgraph_adj, subgraph_norm, node_subgraph, node_list,
           edge_index, perm, W_gcn, b_gcn):
    pad = E_PAD - E
    src_p = jnp.concatenate([edge_index[0], jnp.zeros((pad,), jnp.int32)])
    dst_p = jnp.concatenate([edge_index[1], jnp.full((pad,), N, jnp.int32)])
    dst4 = dst_p.reshape(NC * NS, E_PAD // (NC * NS * CH), CH)
    src3 = src_p.reshape(NS, E_PAD // (NS * CH), CH)
    dst3 = dst_p.reshape(NS, E_PAD // (NS * CH), CH)
    z128 = jnp.zeros((NPS, H), jnp.float32)
    ones16 = jnp.ones((CH, H), jnp.float32)

    degA = pl.kernel(
        _deg_body,
        out_type=jax.ShapeDtypeStruct((NC, NPS, H), jnp.float32),
        mesh=_sc_mesh(),
        scratch_types=[
            pltpu.VMEM((CH,), jnp.int32),
            pltpu.VMEM((CH, H), jnp.float32),
            pltpu.VMEM_SHARED((NPS, H), jnp.float32),
        ],
    )(dst4, z128, ones16)

    G = pl.pallas_call(
        _matmul_body,
        grid=(10,),
        in_specs=[pl.BlockSpec((N // 10, H), lambda i: (i, 0)),
                  pl.BlockSpec((H, H), lambda i: (0, 0))],
        out_specs=pl.BlockSpec((N // 10, H), lambda i: (i, 0)),
        out_shape=jax.ShapeDtypeStruct((N, H), jnp.float32),
    )(features, W_gcn)

    Gs = pl.kernel(
        _permgather_body,
        out_type=jax.ShapeDtypeStruct((N, H), jnp.float32),
        mesh=_sc_mesh(),
        scratch_types=[
            pltpu.VMEM((640,), jnp.int32),
            pltpu.VMEM((CH, H), jnp.float32),
            pltpu.SemaphoreType.DMA,
        ],
    )(G, perm)

    T, isd = pl.pallas_call(
        _table_body,
        grid=(10,),
        in_specs=[
            pl.BlockSpec((N // 10, H), lambda i: (i, 0)),
            pl.BlockSpec((N // 10, H), lambda i: (i, 0)),
            pl.BlockSpec((NC, N // 10, H), lambda i: (0, i, 0)),
            pl.BlockSpec((1, H), lambda i: (0, 0)),
        ],
        out_specs=[
            pl.BlockSpec((NC, N // 10, H), lambda i: (0, i, 0)),
            pl.BlockSpec((N // 10, 1), lambda i: (i, 0)),
        ],
        out_shape=[
            jax.ShapeDtypeStruct((NC, N, H), jnp.float32),
            jax.ShapeDtypeStruct((N, 1), jnp.float32),
        ],
    )(G, Gs, degA, b_gcn.reshape(1, H))

    S_out = pl.kernel(
        _edge_body,
        out_type=jax.ShapeDtypeStruct((NC, NPS, H), jnp.float32),
        mesh=_sc_mesh(),
        scratch_types=[
            pltpu.VMEM((CH,), jnp.int32),
            pltpu.VMEM((CH,), jnp.int32),
            pltpu.VMEM((CH, H), jnp.float32),
            pltpu.SemaphoreType.DMA,
        ] * 2 + [
            pltpu.VMEM_SHARED((NPS, H), jnp.float32),
        ],
    )(T, src3, dst3, z128)

    adj_p = jnp.pad(subgraph_adj, ((0, 0), (0, NPT - N)))
    fb = NPT // 10
    pos, neg, ge = pl.pallas_call(
        _embed_body,
        grid=(10,),
        in_specs=[
            pl.BlockSpec((NC, fb, H), lambda i: (0, i, 0)),
            pl.BlockSpec((fb, 1), lambda i: (i, 0)),
            pl.BlockSpec((S, fb), lambda i: (0, i)),
            pl.BlockSpec((S, 1), lambda i: (0, 0)),
        ],
        out_specs=[
            pl.BlockSpec((fb, H), lambda i: (i, 0)),
            pl.BlockSpec((fb, H), lambda i: (i, 0)),
            pl.BlockSpec((S, H), lambda i: (0, 0)),
        ],
        out_shape=[
            jax.ShapeDtypeStruct((NPT, H), jnp.float32),
            jax.ShapeDtypeStruct((NPT, H), jnp.float32),
            jax.ShapeDtypeStruct((S, H), jnp.float32),
        ],
        scratch_shapes=[pltpu.VMEM((S, H), jnp.float32)],
    )(S_out, isd, adj_p, subgraph_norm)

    ploss, nloss = pl.pallas_call(
        _loss_body,
        grid=(10,),
        in_specs=[
            pl.BlockSpec((N // 10, H), lambda i: (i, 0)),
            pl.BlockSpec((N // 10, H), lambda i: (i, 0)),
            pl.BlockSpec((S, H), lambda i: (0, 0)),
            pl.BlockSpec((N // 10, 1), lambda i: (i, 0)),
        ],
        out_specs=[
            pl.BlockSpec((N // 10, 1), lambda i: (i, 0)),
            pl.BlockSpec((N // 10, 1), lambda i: (i, 0)),
        ],
        out_shape=[
            jax.ShapeDtypeStruct((N, 1), jnp.float32),
            jax.ShapeDtypeStruct((N, 1), jnp.float32),
        ],
    )(pos, neg, ge, node_subgraph.reshape(N, 1))

    return (ploss[:, 0], nloss[:, 0])

# --- scband reference (transcript-rebuilt; emitter-appended) ---
"""Pipeline reference for scband-dgi-87548613361817 (READ-ONLY COPY).

The authoritative reference and input builder live on the scoring server;
editing this copy changes nothing except your own understanding.
"""

import jax, jax.numpy as jnp
import numpy as np

N = 10000
E = 320000
D_IN = 128
H = 128
S = 100


def setup_inputs(seed: int = 0) -> dict:
    key = jax.random.key(seed)
    ks = jax.random.split(key, 8)
    features = jax.random.normal(ks[0], (N, D_IN), dtype=jnp.float32)
    subgraph_adj = jax.random.uniform(ks[1], (S, N), dtype=jnp.float32)
    subgraph_norm = jnp.full((S, 1), float(N) / float(S), dtype=jnp.float32)
    node_subgraph = jax.random.randint(ks[2], (N,), 0, S, dtype=jnp.int32)
    node_list = jax.random.randint(ks[3], (N,), 0, N, dtype=jnp.int32)
    # graph structure held by the module (g) materialized as edge_index
    edge_index = jax.random.randint(ks[4], (2, E), 0, N, dtype=jnp.int32)
    # fixed permutation standing in for torch.randperm in the corrupted pass
    perm = jax.random.permutation(ks[5], N)
    # GCN layer parameters (xavier uniform)
    limit = float(np.sqrt(6.0 / (D_IN + H)))
    W_gcn = jax.random.uniform(ks[6], (D_IN, H), minval=-limit, maxval=limit, dtype=jnp.float32)
    b_gcn = jnp.zeros((H,), dtype=jnp.float32)
    return {
        'features': features,
        'subgraph_adj': subgraph_adj,
        'subgraph_norm': subgraph_norm,
        'node_subgraph': node_subgraph,
        'node_list': node_list,
        'edge_index': edge_index,
        'perm': perm,
        'W_gcn': W_gcn,
        'b_gcn': b_gcn,
    }


def _gcn(x, W, b, edge_index):
    src = edge_index[0]
    dst = edge_index[1]
    deg = jnp.zeros((N,), dtype=jnp.float32).at[dst].add(1.0)
    deg = jnp.clip(deg, 1.0)
    inv_sqrt_deg = 1.0 / jnp.sqrt(deg)
    support = x @ W + b
    coeff = (inv_sqrt_deg[src] * inv_sqrt_deg[dst])[:, None]
    msg = support[src] * coeff
    out = jax.ops.segment_sum(msg, dst, num_segments=N)
    return jax.nn.relu(out)


def reference(features, subgraph_adj, subgraph_norm, node_subgraph, node_list, edge_index, perm, W_gcn, b_gcn):
    # Encoder, corrupt=False
    positive = _gcn(features, W_gcn, b_gcn, edge_index)
    # Encoder, corrupt=True (fixed permutation of rows)
    negative = _gcn(features[perm], W_gcn, b_gcn, edge_index)
    # subgraph readout: sparse.mm(subgraph_adj, positive) / subgraph_norm
    graph_embeds = (subgraph_adj @ positive) / subgraph_norm
    graph_embeds = jax.nn.relu(graph_embeds)  # graph_act
    summary = graph_embeds[node_subgraph]
    # Discriminator: sum(node_embed * graph_embed, dim=1)
    positive_score = jnp.sum(positive * summary, axis=1)
    negative_score = jnp.sum(negative * summary, axis=1)
    # BCEWithLogitsLoss(reduction='none') vs ones / zeros
    pos_loss = jax.nn.softplus(-positive_score)
    neg_loss = jax.nn.softplus(negative_score)
    return (pos_loss, neg_loss)

if __name__ == "__main__":
    import jax
    _d = setup_inputs()
    print(jax.jit(kernel)(*tuple(_d.values())))

</pallas_src>

<mosaic_0001>
#map = affine_map<(d0, d1) -> (0, 0, 0)>
#map1 = affine_map<(d0, d1) -> (0, 0)>
module attributes {stable_mosaic.version = 14 : i64} {
  func.func @_deg_body(%arg0: i32, %arg1: i32, %arg2: memref<32x79x128xi32, #tpu.memory_space<hbm>>, %arg3: memref<10240x128xf32, #tpu.memory_space<hbm>>, %arg4: memref<128x128xf32, #tpu.memory_space<hbm>>, %arg5: memref<2x10240x128xf32, #tpu.memory_space<hbm>>, %arg6: memref<128xi32, #tpu.memory_space<vmem>>, %arg7: memref<128x128xf32, #tpu.memory_space<vmem>>, %arg8: memref<10240x128xf32, #tpu.memory_space<vmem_shared>>) attributes {dimension_semantics = [#tpu.dimension_semantics<core_parallel>, #tpu.dimension_semantics<subcore_parallel>], iteration_bounds = array<i64: 2, 16>, scalar_prefetch = 0 : i64, scratch_operands = 3 : i64, tpu.core_type = #tpu.core_type<sc_vector_subcore>, window_params = [{transform_indices = #map}, {transform_indices = #map1}, {transform_indices = #map1}, {transform_indices = #map}]} {
    %mul3A = arith.constant 16 : i32
    %mul3A_0 = arith.muli %arg0, %mul3A : i32
    %add3A = arith.addi %mul3A_0, %arg1 : i32
    "tpu.region"() ({
      %run_scoped3A = tpu.sem_alloc : memref<!tpu.dma_semaphore, #tpu.memory_space<semaphore_mem>>
      tpu.enqueue_dma source(%arg4 : memref<128x128xf32, #tpu.memory_space<hbm>>) target(%arg7 : memref<128x128xf32, #tpu.memory_space<vmem>>) target_semaphore(%run_scoped3A : memref<!tpu.dma_semaphore, #tpu.memory_space<semaphore_mem>>)
      tpu.wait_dma2 semaphore(%run_scoped3A : memref<!tpu.dma_semaphore, #tpu.memory_space<semaphore_mem>>) src(%arg4 : memref<128x128xf32, #tpu.memory_space<hbm>>) dst(%arg7 : memref<128x128xf32, #tpu.memory_space<vmem>>)
      tpu.yield
    }) : () -> ()
    %mul3A_1 = arith.constant 640 : i32
    %mul3A_2 = arith.muli %arg1, %mul3A_1 : i32
    %mul3A_3 = arith.constant 640 : i32
    %mul3A_4 = arith.muli %arg1, %mul3A_3 : i32
    "tpu.region"() ({
      %run_scoped3A = tpu.sem_alloc : memref<!tpu.dma_semaphore, #tpu.memory_space<semaphore_mem>>
      %dma_start3A = arith.constant 0 : i32
      %dma_start3A_15 = tpu.memref_slice %arg8[%mul3A_4, %dma_start3A] : memref<10240x128xf32, #tpu.memory_space<vmem_shared>> -> memref<640x128xf32, #tpu.memory_space<vmem_shared>>
      %dma_start3A_16 = arith.constant 0 : i32
      %dma_start3A_17 = tpu.memref_slice %arg3[%mul3A_2, %dma_start3A_16] : memref<10240x128xf32, #tpu.memory_space<hbm>> -> memref<640x128xf32, #tpu.memory_space<hbm>>
      tpu.enqueue_dma source(%dma_start3A_17 : memref<640x128xf32, #tpu.memory_space<hbm>>) target(%dma_start3A_15 : memref<640x128xf32, #tpu.memory_space<vmem_shared>>) target_semaphore(%run_scoped3A : memref<!tpu.dma_semaphore, #tpu.memory_space<semaphore_mem>>)
      %dma_wait3A = arith.constant 0 : i32
      %dma_wait3A_18 = tpu.memref_slice %arg8[%mul3A_4, %dma_wait3A] : memref<10240x128xf32, #tpu.memory_space<vmem_shared>> -> memref<640x128xf32, #tpu.memory_space<vmem_shared>>
      %dma_wait3A_19 = arith.constant 0 : i32
      %dma_wait3A_20 = tpu.memref_slice %arg3[%mul3A_2, %dma_wait3A_19] : memref<10240x128xf32, #tpu.memory_space<hbm>> -> memref<640x128xf32, #tpu.memory_space<hbm>>
      tpu.wait_dma2 semaphore(%run_scoped3A : memref<!tpu.dma_semaphore, #tpu.memory_space<semaphore_mem>>) src(%dma_wait3A_20 : memref<640x128xf32, #tpu.memory_space<hbm>>) dst(%dma_wait3A_18 : memref<640x128xf32, #tpu.memory_space<vmem_shared>>)
      tpu.yield
    }) : () -> ()
    %barrier3A = arith.constant 0 : index
    tpu.barrier barrier_id(%barrier3A)
    %scan3A = arith.constant 0 : i32
    %scan3A_5 = arith.constant 0 : i32
    %scan3A_6 = arith.constant 79 : i32
    %scan3A_7 = arith.addi %scan3A_5, %scan3A_6 : i32
    %scan3A_8 = arith.constant 1 : i32
    scf.for %scan3A_15 = %scan3A_5 to %scan3A_7 step %scan3A_8  : i32 {
      "tpu.region"() ({
        %run_scoped3A = tpu.sem_alloc : memref<!tpu.dma_semaphore, #tpu.memory_space<semaphore_mem>>
        %dma_start3A = arith.constant 0 : i32
        %dma_start3A_16 = arith.constant 0 : i32
        %dma_start3A_17 = tpu.memref_slice %arg2[%add3A, %dma_start3A, %dma_start3A_16] : memref<32x79x128xi32, #tpu.memory_space<hbm>> -> memref<1x79x128xi32, #tpu.memory_space<hbm>>
        %dma_start3A_18 = tpu.memref_squeeze %dma_start3A_17 : memref<1x79x128xi32, #tpu.memory_space<hbm>> -> memref<79x128xi32, #tpu.memory_space<hbm>>
        %dma_start3A_19 = arith.constant 0 : i32
        %dma_start3A_20 = tpu.memref_slice %dma_start3A_18[%scan3A_15, %dma_start3A_19] : memref<79x128xi32, #tpu.memory_space<hbm>> -> memref<1x128xi32, #tpu.memory_space<hbm>>
        %dma_start3A_21 = tpu.memref_squeeze %dma_start3A_20 : memref<1x128xi32, #tpu.memory_space<hbm>> -> memref<128xi32, #tpu.memory_space<hbm>>
        %dma_start3A_22 = arith.constant 0 : i32
        %dma_start3A_23 = arith.constant 0 : i32
        %dma_start3A_24 = tpu.memref_slice %arg2[%add3A, %dma_start3A_22, %dma_start3A_23] : memref<32x79x128xi32, #tpu.memory_space<hbm>> -> memref<1x79x128xi32, #tpu.memory_space<hbm>>
        %dma_start3A_25 = tpu.memref_squeeze %dma_start3A_24 : memref<1x79x128xi32, #tpu.memory_space<hbm>> -> memref<79x128xi32, #tpu.memory_space<hbm>>
        %dma_start3A_26 = arith.constant 0 : i32
        %dma_start3A_27 = tpu.memref_slice %dma_start3A_25[%scan3A_15, %dma_start3A_26] : memref<79x128xi32, #tpu.memory_space<hbm>> -> memref<1x128xi32, #tpu.memory_space<hbm>>
        %dma_start3A_28 = tpu.memref_squeeze %dma_start3A_27 : memref<1x128xi32, #tpu.memory_space<hbm>> -> memref<128xi32, #tpu.memory_space<hbm>>
        tpu.enqueue_dma source(%dma_start3A_28 : memref<128xi32, #tpu.memory_space<hbm>>) target(%arg6 : memref<128xi32, #tpu.memory_space<vmem>>) target_semaphore(%run_scoped3A : memref<!tpu.dma_semaphore, #tpu.memory_space<semaphore_mem>>)
        %dma_wait3A = arith.constant 0 : i32
        %dma_wait3A_29 = arith.constant 0 : i32
        %dma_wait3A_30 = tpu.memref_slice %arg2[%add3A, %dma_wait3A, %dma_wait3A_29] : memref<32x79x128xi32, #tpu.memory_space<hbm>> -> memref<1x79x128xi32, #tpu.memory_space<hbm>>
        %dma_wait3A_31 = tpu.memref_squeeze %dma_wait3A_30 : memref<1x79x128xi32, #tpu.memory_space<hbm>> -> memref<79x128xi32, #tpu.memory_space<hbm>>
        %dma_wait3A_32 = arith.constant 0 : i32
        %dma_wait3A_33 = tpu.memref_slice %dma_wait3A_31[%scan3A_15, %dma_wait3A_32] : memref<79x128xi32, #tpu.memory_space<hbm>> -> memref<1x128xi32, #tpu.memory_space<hbm>>
        %dma_wait3A_34 = tpu.memref_squeeze %dma_wait3A_33 : memref<1x128xi32, #tpu.memory_space<hbm>> -> memref<128xi32, #tpu.memory_space<hbm>>
        %dma_wait3A_35 = arith.constant 0 : i32
        %dma_wait3A_36 = arith.constant 0 : i32
        %dma_wait3A_37 = tpu.memref_slice %arg2[%add3A, %dma_wait3A_35, %dma_wait3A_36] : memref<32x79x128xi32, #tpu.memory_space<hbm>> -> memref<1x79x128xi32, #tpu.memory_space<hbm>>
        %dma_wait3A_38 = tpu.memref_squeeze %dma_wait3A_37 : memref<1x79x128xi32, #tpu.memory_space<hbm>> -> memref<79x128xi32, #tpu.memory_space<hbm>>
        %dma_wait3A_39 = arith.constant 0 : i32
        %dma_wait3A_40 = tpu.memref_slice %dma_wait3A_38[%scan3A_15, %dma_wait3A_39] : memref<79x128xi32, #tpu.memory_space<hbm>> -> memref<1x128xi32, #tpu.memory_space<hbm>>
        %dma_wait3A_41 = tpu.memref_squeeze %dma_wait3A_40 : memref<1x128xi32, #tpu.memory_space<hbm>> -> memref<128xi32, #tpu.memory_space<hbm>>
        tpu.wait_dma2 semaphore(%run_scoped3A : memref<!tpu.dma_semaphore, #tpu.memory_space<semaphore_mem>>) src(%dma_wait3A_41 : memref<128xi32, #tpu.memory_space<hbm>>) dst(%arg6 : memref<128xi32, #tpu.memory_space<vmem>>)
        tpu.yield
      }) : () -> ()
      "tpu.region"() ({
        %run_scoped3A = tpu.sem_alloc : memref<!tpu.dma_semaphore, #tpu.memory_space<semaphore_mem>>
        %dma_start3A = arith.constant 0 : i32
        %dma_start3A_16 = arith.constant 0 : i32
        %dma_start3A_17 = tpu.memref_slice %arg8[%dma_start3A, %dma_start3A_16] : memref<10240x128xf32, #tpu.memory_space<vmem_shared>> -> memref<10240x128xf32, #tpu.memory_space<vmem_shared>>
        tpu.enqueue_indirect_dma source(%arg7 : memref<128x128xf32, #tpu.memory_space<vmem>>) target(%dma_start3A_17 : memref<10240x128xf32, #tpu.memory_space<vmem_shared>>) offsets(%arg6 : memref<128xi32, #tpu.memory_space<vmem>>) semaphore(%run_scoped3A : memref<!tpu.dma_semaphore, #tpu.memory_space<semaphore_mem>>) {add = true}
        %dma_wait3A = arith.constant 0 : i32
        %dma_wait3A_18 = arith.constant 0 : i32
        %dma_wait3A_19 = tpu.memref_slice %arg8[%dma_wait3A, %dma_wait3A_18] : memref<10240x128xf32, #tpu.memory_space<vmem_shared>> -> memref<10240x128xf32, #tpu.memory_space<vmem_shared>>
        tpu.wait_indirect_dma semaphore(%run_scoped3A : memref<!tpu.dma_semaphore, #tpu.memory_space<semaphore_mem>>) src(%arg7 : memref<128x128xf32, #tpu.memory_space<vmem>>) dst(%dma_wait3A_19 : memref<10240x128xf32, #tpu.memory_space<vmem_shared>>)
        tpu.yield
      }) : () -> ()
    }
    %scan3A_9 = arith.constant 79 : i32
    %barrier3A_10 = arith.constant 0 : index
    tpu.barrier barrier_id(%barrier3A_10)
    %mul3A_11 = arith.constant 640 : i32
    %mul3A_12 = arith.muli %arg1, %mul3A_11 : i32
    %mul3A_13 = arith.constant 640 : i32
    %mul3A_14 = arith.muli %arg1, %mul3A_13 : i32
    "tpu.region"() ({
      %run_scoped3A = tpu.sem_alloc : memref<!tpu.dma_semaphore, #tpu.memory_space<semaphore_mem>>
      %dma_start3A = arith.constant 0 : i32
      %dma_start3A_15 = arith.constant 0 : i32
      %dma_start3A_16 = tpu.memref_slice %arg5[%arg0, %dma_start3A, %dma_start3A_15] : memref<2x10240x128xf32, #tpu.memory_space<hbm>> -> memref<1x10240x128xf32, #tpu.memory_space<hbm>>
      %dma_start3A_17 = tpu.memref_squeeze %dma_start3A_16 : memref<1x10240x128xf32, #tpu.memory_space<hbm>> -> memref<10240x128xf32, #tpu.memory_space<hbm>>
      %dma_start3A_18 = arith.constant 0 : i32
      %dma_start3A_19 = tpu.memref_slice %dma_start3A_17[%mul3A_14, %dma_start3A_18] : memref<10240x128xf32, #tpu.memory_space<hbm>> -> memref<640x128xf32, #tpu.memory_space<hbm>>
      %dma_start3A_20 = arith.constant 0 : i32
      %dma_start3A_21 = tpu.memref_slice %arg8[%mul3A_12, %dma_start3A_20] : memref<10240x128xf32, #tpu.memory_space<vmem_shared>> -> memref<640x128xf32, #tpu.memory_space<vmem_shared>>
      tpu.enqueue_dma source(%dma_start3A_21 : memref<640x128xf32, #tpu.memory_space<vmem_shared>>) target(%dma_start3A_19 : memref<640x128xf32, #tpu.memory_space<hbm>>) target_semaphore(%run_scoped3A : memref<!tpu.dma_semaphore, #tpu.memory_space<semaphore_mem>>)
      %dma_wait3A = arith.constant 0 : i32
      %dma_wait3A_22 = arith.constant 0 : i32
      %dma_wait3A_23 = tpu.memref_slice %arg5[%arg0, %dma_wait3A, %dma_wait3A_22] : memref<2x10240x128xf32, #tpu.memory_space<hbm>> -> memref<1x10240x128xf32, #tpu.memory_space<hbm>>
      %dma_wait3A_24 = tpu.memref_squeeze %dma_wait3A_23 : memref<1x10240x128xf32, #tpu.memory_space<hbm>> -> memref<10240x128xf32, #tpu.memory_space<hbm>>
      %dma_wait3A_25 = arith.constant 0 : i32
      %dma_wait3A_26 = tpu.memref_slice %dma_wait3A_24[%mul3A_14, %dma_wait3A_25] : memref<10240x128xf32, #tpu.memory_space<hbm>> -> memref<640x128xf32, #tpu.memory_space<hbm>>
      %dma_wait3A_27 = arith.constant 0 : i32
      %dma_wait3A_28 = tpu.memref_slice %arg8[%mul3A_12, %dma_wait3A_27] : memref<10240x128xf32, #tpu.memory_space<vmem_shared>> -> memref<640x128xf32, #tpu.memory_space<vmem_shared>>
      tpu.wait_dma2 semaphore(%run_scoped3A : memref<!tpu.dma_semaphore, #tpu.memory_space<semaphore_mem>>) src(%dma_wait3A_28 : memref<640x128xf32, #tpu.memory_space<vmem_shared>>) dst(%dma_wait3A_26 : memref<640x128xf32, #tpu.memory_space<hbm>>)
      tpu.yield
    }) : () -> ()
    return
  }
}

#map = affine_map<(d0, d1) -> (0, 0)>
#map1 = affine_map<(d0, d1) -> (0)>
module attributes {stable_mosaic.version = 14 : i64} {
  func.func @_permgather_body(%arg0: i32, %arg1: i32, %arg2: memref<10000x128xf32, #tpu.memory_space<hbm>>, %arg3: memref<10000xi32, #tpu.memory_space<hbm>>, %arg4: memref<10000x128xf32, #tpu.memory_space<hbm>>, %arg5: memref<640xi32, #tpu.memory_space<vmem>>, %arg6: memref<128x128xf32, #tpu.memory_space<vmem>>, %arg7: memref<!tpu.dma_semaphore, #tpu.memory_space<semaphore_mem>>) attributes {dimension_semantics = [#tpu.dimension_semantics<core_parallel>, #tpu.dimension_semantics<subcore_parallel>], iteration_bounds = array<i64: 2, 16>, scalar_prefetch = 0 : i64, scratch_operands = 3 : i64, tpu.core_type = #tpu.core_type<sc_vector_subcore>, window_params = [{transform_indices = #map}, {transform_indices = #map1}, {transform_indices = #map}]} {
    %eq3A = arith.constant 0 : i32
    %eq3A_0 = arith.cmpi eq, %arg0, %eq3A : i32
    %convert_element_type3A = arith.extui %eq3A_0 : i1 to i32
    %cond3A = arith.constant 0 : i32
    %cond3A_1 = arith.cmpi ne, %convert_element_type3A, %cond3A : i32
    scf.if %cond3A_1 {
      %mul3A = arith.constant 624 : i32
      %mul3A_2 = arith.muli %arg1, %mul3A : i32
      "tpu.region"() ({
        %run_scoped3A = tpu.sem_alloc : memref<!tpu.dma_semaphore, #tpu.memory_space<semaphore_mem>>
        %dma_start3A = tpu.memref_slice %arg3[%mul3A_2] : memref<10000xi32, #tpu.memory_space<hbm>> -> memref<640xi32, #tpu.memory_space<hbm>>
        %dma_start3A_8 = tpu.memref_slice %arg3[%mul3A_2] : memref<10000xi32, #tpu.memory_space<hbm>> -> memref<640xi32, #tpu.memory_space<hbm>>
        tpu.enqueue_dma source(%dma_start3A_8 : memref<640xi32, #tpu.memory_space<hbm>>) target(%arg5 : memref<640xi32, #tpu.memory_space<vmem>>) target_semaphore(%run_scoped3A : memref<!tpu.dma_semaphore, #tpu.memory_space<semaphore_mem>>)
        %dma_wait3A = tpu.memref_slice %arg3[%mul3A_2] : memref<10000xi32, #tpu.memory_space<hbm>> -> memref<640xi32, #tpu.memory_space<hbm>>
        %dma_wait3A_9 = tpu.memref_slice %arg3[%mul3A_2] : memref<10000xi32, #tpu.memory_space<hbm>> -> memref<640xi32, #tpu.memory_space<hbm>>
        tpu.wait_dma2 semaphore(%run_scoped3A : memref<!tpu.dma_semaphore, #tpu.memory_space<semaphore_mem>>) src(%dma_wait3A_9 : memref<640xi32, #tpu.memory_space<hbm>>) dst(%arg5 : memref<640xi32, #tpu.memory_space<vmem>>)
        tpu.yield
      }) : () -> ()
      %scan3A = arith.constant 0 : i32
      %scan3A_3 = arith.constant 0 : i32
      %scan3A_4 = arith.constant 5 : i32
      %scan3A_5 = arith.addi %scan3A_3, %scan3A_4 : i32
      %scan3A_6 = arith.constant 1 : i32
      scf.for %scan3A_8 = %scan3A_3 to %scan3A_5 step %scan3A_6  : i32 {
        %mul3A_9 = arith.constant 128 : i32
        %mul3A_10 = arith.muli %scan3A_8, %mul3A_9 : i32
        %dma_start3A = tpu.memref_slice %arg5[%mul3A_10] : memref<640xi32, #tpu.memory_space<vmem>> -> memref<128xi32, #tpu.memory_space<vmem>>
        %dma_start3A_11 = arith.constant 0 : i32
        %dma_start3A_12 = arith.constant 0 : i32
        %dma_start3A_13 = tpu.memref_slice %arg2[%dma_start3A_11, %dma_start3A_12] : memref<10000x128xf32, #tpu.memory_space<hbm>> -> memref<10000x128xf32, #tpu.memory_space<hbm>>
        tpu.enqueue_indirect_dma source(%dma_start3A_13 : memref<10000x128xf32, #tpu.memory_space<hbm>>) target(%arg6 : memref<128x128xf32, #tpu.memory_space<vmem>>) offsets(%dma_start3A : memref<128xi32, #tpu.memory_space<vmem>>) semaphore(%arg7 : memref<!tpu.dma_semaphore, #tpu.memory_space<semaphore_mem>>)
        %dma_wait3A = tpu.memref_slice %arg5[%mul3A_10] : memref<640xi32, #tpu.memory_space<vmem>> -> memref<128xi32, #tpu.memory_space<vmem>>
        %dma_wait3A_14 = arith.constant 0 : i32
        %dma_wait3A_15 = arith.constant 0 : i32
        %dma_wait3A_16 = tpu.memref_slice %arg2[%dma_wait3A_14, %dma_wait3A_15] : memref<10000x128xf32, #tpu.memory_space<hbm>> -> memref<10000x128xf32, #tpu.memory_space<hbm>>
        tpu.wait_indirect_dma semaphore(%arg7 : memref<!tpu.dma_semaphore, #tpu.memory_space<semaphore_mem>>) src(%dma_wait3A_16 : memref<10000x128xf32, #tpu.memory_space<hbm>>) dst(%arg6 : memref<128x128xf32, #tpu.memory_space<vmem>>)
        %mul3A_17 = arith.constant 128 : i32
        %mul3A_18 = arith.muli %scan3A_8, %mul3A_17 : i32
        %add3A = arith.addi %mul3A_2, %mul3A_18 : i32
        "tpu.region"() ({
          %run_scoped3A = tpu.sem_alloc : memref<!tpu.dma_semaphore, #tpu.memory_space<semaphore_mem>>
          %dma_start3A_19 = arith.constant 0 : i32
          %dma_start3A_20 = tpu.memref_slice %arg4[%add3A, %dma_start3A_19] : memref<10000x128xf32, #tpu.memory_space<hbm>> -> memref<128x128xf32, #tpu.memory_space<hbm>>
          %dma_start3A_21 = arith.constant 0 : i32
          %dma_start3A_22 = tpu.memref_slice %arg4[%add3A, %dma_start3A_21] : memref<10000x128xf32, #tpu.memory_space<hbm>> -> memref<128x128xf32, #tpu.memory_space<hbm>>
          tpu.enqueue_dma source(%arg6 : memref<128x128xf32, #tpu.memory_space<vmem>>) target(%dma_start3A_22 : memref<128x128xf32, #tpu.memory_space<hbm>>) target_semaphore(%run_scoped3A : memref<!tpu.dma_semaphore, #tpu.memory_space<semaphore_mem>>)
          %dma_wait3A_23 = arith.constant 0 : i32
          %dma_wait3A_24 = tpu.memref_slice %arg4[%add3A, %dma_wait3A_23] : memref<10000x128xf32, #tpu.memory_space<hbm>> -> memref<128x128xf32, #tpu.memory_space<hbm>>
          %dma_wait3A_25 = arith.constant 0 : i32
          %dma_wait3A_26 = tpu.memref_slice %arg4[%add3A, %dma_wait3A_25] : memref<10000x128xf32, #tpu.memory_space<hbm>> -> memref<128x128xf32, #tpu.memory_space<hbm>>
          tpu.wait_dma2 semaphore(%run_scoped3A : memref<!tpu.dma_semaphore, #tpu.memory_space<semaphore_mem>>) src(%arg6 : memref<128x128xf32, #tpu.memory_space<vmem>>) dst(%dma_wait3A_26 : memref<128x128xf32, #tpu.memory_space<hbm>>)
          tpu.yield
        }) : () -> ()
      }
      %scan3A_7 = arith.constant 5 : i32
    } else {
    }
    return
  }
}

#map = affine_map<(d0, d1) -> (0, 0, 0)>
#map1 = affine_map<(d0, d1) -> (0, 0)>
module attributes {stable_mosaic.version = 14 : i64} {
  func.func @_edge_body(%arg0: i32, %arg1: i32, %arg2: memref<2x10000x128xf32, #tpu.memory_space<hbm>>, %arg3: memref<16x158x128xi32, #tpu.memory_space<hbm>>, %arg4: memref<16x158x128xi32, #tpu.memory_space<hbm>>, %arg5: memref<10240x128xf32, #tpu.memory_space<hbm>>, %arg6: memref<2x10240x128xf32, #tpu.memory_space<hbm>>, %arg7: memref<128xi32, #tpu.memory_space<vmem>>, %arg8: memref<128xi32, #tpu.memory_space<vmem>>, %arg9: memref<128x128xf32, #tpu.memory_space<vmem>>, %arg10: memref<!tpu.dma_semaphore, #tpu.memory_space<semaphore_mem>>, %arg11: memref<128xi32, #tpu.memory_space<vmem>>, %arg12: memref<128xi32, #tpu.memory_space<vmem>>, %arg13: memref<128x128xf32, #tpu.memory_space<vmem>>, %arg14: memref<!tpu.dma_semaphore, #tpu.memory_space<semaphore_mem>>, %arg15: memref<10240x128xf32, #tpu.memory_space<vmem_shared>>) attributes {dimension_semantics = [#tpu.dimension_semantics<core_parallel>, #tpu.dimension_semantics<subcore_parallel>], iteration_bounds = array<i64: 2, 16>, scalar_prefetch = 0 : i64, scratch_operands = 9 : i64, tpu.core_type = #tpu.core_type<sc_vector_subcore>, window_params = [{transform_indices = #map}, {transform_indices = #map}, {transform_indices = #map}, {transform_indices = #map1}, {transform_indices = #map}]} {
    %mul3A = arith.constant 640 : i32
    %mul3A_0 = arith.muli %arg1, %mul3A : i32
    %mul3A_1 = arith.constant 640 : i32
    %mul3A_2 = arith.muli %arg1, %mul3A_1 : i32
    "tpu.region"() ({
      %run_scoped3A_20 = tpu.sem_alloc : memref<!tpu.dma_semaphore, #tpu.memory_space<semaphore_mem>>
      %dma_start3A_21 = arith.constant 0 : i32
      %dma_start3A_22 = tpu.memref_slice %arg15[%mul3A_2, %dma_start3A_21] : memref<10240x128xf32, #tpu.memory_space<vmem_shared>> -> memref<640x128xf32, #tpu.memory_space<vmem_shared>>
      %dma_start3A_23 = arith.constant 0 : i32
      %dma_start3A_24 = tpu.memref_slice %arg5[%mul3A_0, %dma_start3A_23] : memref<10240x128xf32, #tpu.memory_space<hbm>> -> memref<640x128xf32, #tpu.memory_space<hbm>>
      tpu.enqueue_dma source(%dma_start3A_24 : memref<640x128xf32, #tpu.memory_space<hbm>>) target(%dma_start3A_22 : memref<640x128xf32, #tpu.memory_space<vmem_shared>>) target_semaphore(%run_scoped3A_20 : memref<!tpu.dma_semaphore, #tpu.memory_space<semaphore_mem>>)
      %dma_wait3A = arith.constant 0 : i32
      %dma_wait3A_25 = tpu.memref_slice %arg15[%mul3A_2, %dma_wait3A] : memref<10240x128xf32, #tpu.memory_space<vmem_shared>> -> memref<640x128xf32, #tpu.memory_space<vmem_shared>>
      %dma_wait3A_26 = arith.constant 0 : i32
      %dma_wait3A_27 = tpu.memref_slice %arg5[%mul3A_0, %dma_wait3A_26] : memref<10240x128xf32, #tpu.memory_space<hbm>> -> memref<640x128xf32, #tpu.memory_space<hbm>>
      tpu.wait_dma2 semaphore(%run_scoped3A_20 : memref<!tpu.dma_semaphore, #tpu.memory_space<semaphore_mem>>) src(%dma_wait3A_27 : memref<640x128xf32, #tpu.memory_space<hbm>>) dst(%dma_wait3A_25 : memref<640x128xf32, #tpu.memory_space<vmem_shared>>)
      tpu.yield
    }) : () -> ()
    %barrier3A = arith.constant 0 : index
    tpu.barrier barrier_id(%barrier3A)
    %run_scoped3A = arith.constant 0 : i32
    "tpu.region"() ({
      %run_scoped3A_20 = tpu.sem_alloc : memref<!tpu.dma_semaphore, #tpu.memory_space<semaphore_mem>>
      %dma_start3A_21 = arith.constant 0 : i32
      %dma_start3A_22 = arith.constant 0 : i32
      %dma_start3A_23 = tpu.memref_slice %arg3[%arg1, %dma_start3A_21, %dma_start3A_22] : memref<16x158x128xi32, #tpu.memory_space<hbm>> -> memref<1x158x128xi32, #tpu.memory_space<hbm>>
      %dma_start3A_24 = tpu.memref_squeeze %dma_start3A_23 : memref<1x158x128xi32, #tpu.memory_space<hbm>> -> memref<158x128xi32, #tpu.memory_space<hbm>>
      %dma_start3A_25 = arith.constant 0 : i32
      %dma_start3A_26 = tpu.memref_slice %dma_start3A_24[%run_scoped3A, %dma_start3A_25] : memref<158x128xi32, #tpu.memory_space<hbm>> -> memref<1x128xi32, #tpu.memory_space<hbm>>
      %dma_start3A_27 = tpu.memref_squeeze %dma_start3A_26 : memref<1x128xi32, #tpu.memory_space<hbm>> -> memref<128xi32, #tpu.memory_space<hbm>>
      %dma_start3A_28 = arith.constant 0 : i32
      %dma_start3A_29 = arith.constant 0 : i32
      %dma_start3A_30 = tpu.memref_slice %arg3[%arg1, %dma_start3A_28, %dma_start3A_29] : memref<16x158x128xi32, #tpu.memory_space<hbm>> -> memref<1x158x128xi32, #tpu.memory_space<hbm>>
      %dma_start3A_31 = tpu.memref_squeeze %dma_start3A_30 : memref<1x158x128xi32, #tpu.memory_space<hbm>> -> memref<158x128xi32, #tpu.memory_space<hbm>>
      %dma_start3A_32 = arith.constant 0 : i32
      %dma_start3A_33 = tpu.memref_slice %dma_start3A_31[%run_scoped3A, %dma_start3A_32] : memref<158x128xi32, #tpu.memory_space<hbm>> -> memref<1x128xi32, #tpu.memory_space<hbm>>
      %dma_start3A_34 = tpu.memref_squeeze %dma_start3A_33 : memref<1x128xi32, #tpu.memory_space<hbm>> -> memref<128xi32, #tpu.memory_space<hbm>>
      tpu.enqueue_dma source(%dma_start3A_34 : memref<128xi32, #tpu.memory_space<hbm>>) target(%arg7 : memref<128xi32, #tpu.memory_space<vmem>>) target_semaphore(%run_scoped3A_20 : memref<!tpu.dma_semaphore, #tpu.memory_space<semaphore_mem>>)
      %dma_wait3A = arith.constant 0 : i32
      %dma_wait3A_35 = arith.constant 0 : i32
      %dma_wait3A_36 = tpu.memref_slice %arg3[%arg1, %dma_wait3A, %dma_wait3A_35] : memref<16x158x128xi32, #tpu.memory_space<hbm>> -> memref<1x158x128xi32, #tpu.memory_space<hbm>>
      %dma_wait3A_37 = tpu.memref_squeeze %dma_wait3A_36 : memref<1x158x128xi32, #tpu.memory_space<hbm>> -> memref<158x128xi32, #tpu.memory_space<hbm>>
      %dma_wait3A_38 = arith.constant 0 : i32
      %dma_wait3A_39 = tpu.memref_slice %dma_wait3A_37[%run_scoped3A, %dma_wait3A_38] : memref<158x128xi32, #tpu.memory_space<hbm>> -> memref<1x128xi32, #tpu.memory_space<hbm>>
      %dma_wait3A_40 = tpu.memref_squeeze %dma_wait3A_39 : memref<1x128xi32, #tpu.memory_space<hbm>> -> memref<128xi32, #tpu.memory_space<hbm>>
      %dma_wait3A_41 = arith.constant 0 : i32
      %dma_wait3A_42 = arith.constant 0 : i32
      %dma_wait3A_43 = tpu.memref_slice %arg3[%arg1, %dma_wait3A_41, %dma_wait3A_42] : memref<16x158x128xi32, #tpu.memory_space<hbm>> -> memref<1x158x128xi32, #tpu.memory_space<hbm>>
      %dma_wait3A_44 = tpu.memref_squeeze %dma_wait3A_43 : memref<1x158x128xi32, #tpu.memory_space<hbm>> -> memref<158x128xi32, #tpu.memory_space<hbm>>
      %dma_wait3A_45 = arith.constant 0 : i32
      %dma_wait3A_46 = tpu.memref_slice %dma_wait3A_44[%run_scoped3A, %dma_wait3A_45] : memref<158x128xi32, #tpu.memory_space<hbm>> -> memref<1x128xi32, #tpu.memory_space<hbm>>
      %dma_wait3A_47 = tpu.memref_squeeze %dma_wait3A_46 : memref<1x128xi32, #tpu.memory_space<hbm>> -> memref<128xi32, #tpu.memory_space<hbm>>
      tpu.wait_dma2 semaphore(%run_scoped3A_20 : memref<!tpu.dma_semaphore, #tpu.memory_space<semaphore_mem>>) src(%dma_wait3A_47 : memref<128xi32, #tpu.memory_space<hbm>>) dst(%arg7 : memref<128xi32, #tpu.memory_space<vmem>>)
      tpu.yield
    }) : () -> ()
    %run_scoped3A_3 = arith.constant 0 : i32
    "tpu.region"() ({
      %run_scoped3A_20 = tpu.sem_alloc : memref<!tpu.dma_semaphore, #tpu.memory_space<semaphore_mem>>
      %dma_start3A_21 = arith.constant 0 : i32
      %dma_start3A_22 = arith.constant 0 : i32
      %dma_start3A_23 = tpu.memref_slice %arg4[%arg1, %dma_start3A_21, %dma_start3A_22] : memref<16x158x128xi32, #tpu.memory_space<hbm>> -> memref<1x158x128xi32, #tpu.memory_space<hbm>>
      %dma_start3A_24 = tpu.memref_squeeze %dma_start3A_23 : memref<1x158x128xi32, #tpu.memory_space<hbm>> -> memref<158x128xi32, #tpu.memory_space<hbm>>
      %dma_start3A_25 = arith.constant 0 : i32
      %dma_start3A_26 = tpu.memref_slice %dma_start3A_24[%run_scoped3A_3, %dma_start3A_25] : memref<158x128xi32, #tpu.memory_space<hbm>> -> memref<1x128xi32, #tpu.memory_space<hbm>>
      %dma_start3A_27 = tpu.memref_squeeze %dma_start3A_26 : memref<1x128xi32, #tpu.memory_space<hbm>> -> memref<128xi32, #tpu.memory_space<hbm>>
      %dma_start3A_28 = arith.constant 0 : i32
      %dma_start3A_29 = arith.constant 0 : i32
      %dma_start3A_30 = tpu.memref_slice %arg4[%arg1, %dma_start3A_28, %dma_start3A_29] : memref<16x158x128xi32, #tpu.memory_space<hbm>> -> memref<1x158x128xi32, #tpu.memory_space<hbm>>
      %dma_start3A_31 = tpu.memref_squeeze %dma_start3A_30 : memref<1x158x128xi32, #tpu.memory_space<hbm>> -> memref<158x128xi32, #tpu.memory_space<hbm>>
      %dma_start3A_32 = arith.constant 0 : i32
      %dma_start3A_33 = tpu.memref_slice %dma_start3A_31[%run_scoped3A_3, %dma_start3A_32] : memref<158x128xi32, #tpu.memory_space<hbm>> -> memref<1x128xi32, #tpu.memory_space<hbm>>
      %dma_start3A_34 = tpu.memref_squeeze %dma_start3A_33 : memref<1x128xi32, #tpu.memory_space<hbm>> -> memref<128xi32, #tpu.memory_space<hbm>>
      tpu.enqueue_dma source(%dma_start3A_34 : memref<128xi32, #tpu.memory_space<hbm>>) target(%arg8 : memref<128xi32, #tpu.memory_space<vmem>>) target_semaphore(%run_scoped3A_20 : memref<!tpu.dma_semaphore, #tpu.memory_space<semaphore_mem>>)
      %dma_wait3A = arith.constant 0 : i32
      %dma_wait3A_35 = arith.constant 0 : i32
      %dma_wait3A_36 = tpu.memref_slice %arg4[%arg1, %dma_wait3A, %dma_wait3A_35] : memref<16x158x128xi32, #tpu.memory_space<hbm>> -> memref<1x158x128xi32, #tpu.memory_space<hbm>>
      %dma_wait3A_37 = tpu.memref_squeeze %dma_wait3A_36 : memref<1x158x128xi32, #tpu.memory_space<hbm>> -> memref<158x128xi32, #tpu.memory_space<hbm>>
      %dma_wait3A_38 = arith.constant 0 : i32
      %dma_wait3A_39 = tpu.memref_slice %dma_wait3A_37[%run_scoped3A_3, %dma_wait3A_38] : memref<158x128xi32, #tpu.memory_space<hbm>> -> memref<1x128xi32, #tpu.memory_space<hbm>>
      %dma_wait3A_40 = tpu.memref_squeeze %dma_wait3A_39 : memref<1x128xi32, #tpu.memory_space<hbm>> -> memref<128xi32, #tpu.memory_space<hbm>>
      %dma_wait3A_41 = arith.constant 0 : i32
      %dma_wait3A_42 = arith.constant 0 : i32
      %dma_wait3A_43 = tpu.memref_slice %arg4[%arg1, %dma_wait3A_41, %dma_wait3A_42] : memref<16x158x128xi32, #tpu.memory_space<hbm>> -> memref<1x158x128xi32, #tpu.memory_space<hbm>>
      %dma_wait3A_44 = tpu.memref_squeeze %dma_wait3A_43 : memref<1x158x128xi32, #tpu.memory_space<hbm>> -> memref<158x128xi32, #tpu.memory_space<hbm>>
      %dma_wait3A_45 = arith.constant 0 : i32
      %dma_wait3A_46 = tpu.memref_slice %dma_wait3A_44[%run_scoped3A_3, %dma_wait3A_45] : memref<158x128xi32, #tpu.memory_space<hbm>> -> memref<1x128xi32, #tpu.memory_space<hbm>>
      %dma_wait3A_47 = tpu.memref_squeeze %dma_wait3A_46 : memref<1x128xi32, #tpu.memory_space<hbm>> -> memref<128xi32, #tpu.memory_space<hbm>>
      tpu.wait_dma2 semaphore(%run_scoped3A_20 : memref<!tpu.dma_semaphore, #tpu.memory_space<semaphore_mem>>) src(%dma_wait3A_47 : memref<128xi32, #tpu.memory_space<hbm>>) dst(%arg8 : memref<128xi32, #tpu.memory_space<vmem>>)
      tpu.yield
    }) : () -> ()
    %dma_start3A = arith.constant 0 : i32
    %dma_start3A_4 = arith.constant 0 : i32
    %dma_start3A_5 = tpu.memref_slice %arg2[%arg0, %dma_start3A, %dma_start3A_4] : memref<2x10000x128xf32, #tpu.memory_space<hbm>> -> memref<1x10000x128xf32, #tpu.memory_space<hbm>>
    %dma_start3A_6 = tpu.memref_squeeze %dma_start3A_5 : memref<1x10000x128xf32, #tpu.memory_space<hbm>> -> memref<10000x128xf32, #tpu.memory_space<hbm>>
    %dma_start3A_7 = arith.constant 0 : i32
    %dma_start3A_8 = arith.constant 0 : i32
    %dma_start3A_9 = tpu.memref_slice %dma_start3A_6[%dma_start3A_7, %dma_start3A_8] : memref<10000x128xf32, #tpu.memory_space<hbm>> -> memref<10000x128xf32, #tpu.memory_space<hbm>>
    tpu.enqueue_indirect_dma source(%dma_start3A_9 : memref<10000x128xf32, #tpu.memory_space<hbm>>) target(%arg9 : memref<128x128xf32, #tpu.memory_space<vmem>>) offsets(%arg7 : memref<128xi32, #tpu.memory_space<vmem>>) semaphore(%arg10 : memref<!tpu.dma_semaphore, #tpu.memory_space<semaphore_mem>>)
    %scan3A = arith.constant 0 : i32
    %scan3A_10 = arith.constant 0 : i32
    %scan3A_11 = arith.constant 79 : i32
    %scan3A_12 = arith.addi %scan3A_10, %scan3A_11 : i32
    %scan3A_13 = arith.constant 1 : i32
    scf.for %scan3A_20 = %scan3A_10 to %scan3A_12 step %scan3A_13  : i32 {
      %mul3A_21 = arith.constant 2 : i32
      %mul3A_22 = arith.muli %mul3A_21, %scan3A_20 : i32
      %add3A = arith.constant 1 : i32
      %add3A_23 = arith.addi %mul3A_22, %add3A : i32
      "tpu.region"() ({
        %run_scoped3A_48 = tpu.sem_alloc : memref<!tpu.dma_semaphore, #tpu.memory_space<semaphore_mem>>
        %dma_start3A_49 = arith.constant 0 : i32
        %dma_start3A_50 = arith.constant 0 : i32
        %dma_start3A_51 = tpu.memref_slice %arg3[%arg1, %dma_start3A_49, %dma_start3A_50] : memref<16x158x128xi32, #tpu.memory_space<hbm>> -> memref<1x158x128xi32, #tpu.memory_space<hbm>>
        %dma_start3A_52 = tpu.memref_squeeze %dma_start3A_51 : memref<1x158x128xi32, #tpu.memory_space<hbm>> -> memref<158x128xi32, #tpu.memory_space<hbm>>
        %dma_start3A_53 = arith.constant 0 : i32
        %dma_start3A_54 = tpu.memref_slice %dma_start3A_52[%add3A_23, %dma_start3A_53] : memref<158x128xi32, #tpu.memory_space<hbm>> -> memref<1x128xi32, #tpu.memory_space<hbm>>
        %dma_start3A_55 = tpu.memref_squeeze %dma_start3A_54 : memref<1x128xi32, #tpu.memory_space<hbm>> -> memref<128xi32, #tpu.memory_space<hbm>>
        %dma_start3A_56 = arith.constant 0 : i32
        %dma_start3A_57 = arith.constant 0 : i32
        %dma_start3A_58 = tpu.memref_slice %arg3[%arg1, %dma_start3A_56, %dma_start3A_57] : memref<16x158x128xi32, #tpu.memory_space<hbm>> -> memref<1x158x128xi32, #tpu.memory_space<hbm>>
        %dma_start3A_59 = tpu.memref_squeeze %dma_start3A_58 : memref<1x158x128xi32, #tpu.memory_space<hbm>> -> memref<158x128xi32, #tpu.memory_space<hbm>>
        %dma_start3A_60 = arith.constant 0 : i32
        %dma_start3A_61 = tpu.memref_slice %dma_start3A_59[%add3A_23, %dma_start3A_60] : memref<158x128xi32, #tpu.memory_space<hbm>> -> memref<1x128xi32, #tpu.memory_space<hbm>>
        %dma_start3A_62 = tpu.memref_squeeze %dma_start3A_61 : memref<1x128xi32, #tpu.memory_space<hbm>> -> memref<128xi32, #tpu.memory_space<hbm>>
        tpu.enqueue_dma source(%dma_start3A_62 : memref<128xi32, #tpu.memory_space<hbm>>) target(%arg11 : memref<128xi32, #tpu.memory_space<vmem>>) target_semaphore(%run_scoped3A_48 : memref<!tpu.dma_semaphore, #tpu.memory_space<semaphore_mem>>)
        %dma_wait3A_63 = arith.constant 0 : i32
        %dma_wait3A_64 = arith.constant 0 : i32
        %dma_wait3A_65 = tpu.memref_slice %arg3[%arg1, %dma_wait3A_63, %dma_wait3A_64] : memref<16x158x128xi32, #tpu.memory_space<hbm>> -> memref<1x158x128xi32, #tpu.memory_space<hbm>>
        %dma_wait3A_66 = tpu.memref_squeeze %dma_wait3A_65 : memref<1x158x128xi32, #tpu.memory_space<hbm>> -> memref<158x128xi32, #tpu.memory_space<hbm>>
        %dma_wait3A_67 = arith.constant 0 : i32
        %dma_wait3A_68 = tpu.memref_slice %dma_wait3A_66[%add3A_23, %dma_wait3A_67] : memref<158x128xi32, #tpu.memory_space<hbm>> -> memref<1x128xi32, #tpu.memory_space<hbm>>
        %dma_wait3A_69 = tpu.memref_squeeze %dma_wait3A_68 : memref<1x128xi32, #tpu.memory_space<hbm>> -> memref<128xi32, #tpu.memory_space<hbm>>
        %dma_wait3A_70 = arith.constant 0 : i32
        %dma_wait3A_71 = arith.constant 0 : i32
        %dma_wait3A_72 = tpu.memref_slice %arg3[%arg1, %dma_wait3A_70, %dma_wait3A_71] : memref<16x158x128xi32, #tpu.memory_space<hbm>> -> memref<1x158x128xi32, #tpu.memory_space<hbm>>
        %dma_wait3A_73 = tpu.memref_squeeze %dma_wait3A_72 : memref<1x158x128xi32, #tpu.memory_space<hbm>> -> memref<158x128xi32, #tpu.memory_space<hbm>>
        %dma_wait3A_74 = arith.constant 0 : i32
        %dma_wait3A_75 = tpu.memref_slice %dma_wait3A_73[%add3A_23, %dma_wait3A_74] : memref<158x128xi32, #tpu.memory_space<hbm>> -> memref<1x128xi32, #tpu.memory_space<hbm>>
        %dma_wait3A_76 = tpu.memref_squeeze %dma_wait3A_75 : memref<1x128xi32, #tpu.memory_space<hbm>> -> memref<128xi32, #tpu.memory_space<hbm>>
        tpu.wait_dma2 semaphore(%run_scoped3A_48 : memref<!tpu.dma_semaphore, #tpu.memory_space<semaphore_mem>>) src(%dma_wait3A_76 : memref<128xi32, #tpu.memory_space<hbm>>) dst(%arg11 : memref<128xi32, #tpu.memory_space<vmem>>)
        tpu.yield
      }) : () -> ()
      %add3A_24 = arith.constant 1 : i32
      %add3A_25 = arith.addi %mul3A_22, %add3A_24 : i32
      "tpu.region"() ({
        %run_scoped3A_48 = tpu.sem_alloc : memref<!tpu.dma_semaphore, #tpu.memory_space<semaphore_mem>>
        %dma_start3A_49 = arith.constant 0 : i32
        %dma_start3A_50 = arith.constant 0 : i32
        %dma_start3A_51 = tpu.memref_slice %arg4[%arg1, %dma_start3A_49, %dma_start3A_50] : memref<16x158x128xi32, #tpu.memory_space<hbm>> -> memref<1x158x128xi32, #tpu.memory_space<hbm>>
        %dma_start3A_52 = tpu.memref_squeeze %dma_start3A_51 : memref<1x158x128xi32, #tpu.memory_space<hbm>> -> memref<158x128xi32, #tpu.memory_space<hbm>>
        %dma_start3A_53 = arith.constant 0 : i32
        %dma_start3A_54 = tpu.memref_slice %dma_start3A_52[%add3A_25, %dma_start3A_53] : memref<158x128xi32, #tpu.memory_space<hbm>> -> memref<1x128xi32, #tpu.memory_space<hbm>>
        %dma_start3A_55 = tpu.memref_squeeze %dma_start3A_54 : memref<1x128xi32, #tpu.memory_space<hbm>> -> memref<128xi32, #tpu.memory_space<hbm>>
        %dma_start3A_56 = arith.constant 0 : i32
        %dma_start3A_57 = arith.constant 0 : i32
        %dma_start3A_58 = tpu.memref_slice %arg4[%arg1, %dma_start3A_56, %dma_start3A_57] : memref<16x158x128xi32, #tpu.memory_space<hbm>> -> memref<1x158x128xi32, #tpu.memory_space<hbm>>
        %dma_start3A_59 = tpu.memref_squeeze %dma_start3A_58 : memref<1x158x128xi32, #tpu.memory_space<hbm>> -> memref<158x128xi32, #tpu.memory_space<hbm>>
        %dma_start3A_60 = arith.constant 0 : i32
        %dma_start3A_61 = tpu.memref_slice %dma_start3A_59[%add3A_25, %dma_start3A_60] : memref<158x128xi32, #tpu.memory_space<hbm>> -> memref<1x128xi32, #tpu.memory_space<hbm>>
        %dma_start3A_62 = tpu.memref_squeeze %dma_start3A_61 : memref<1x128xi32, #tpu.memory_space<hbm>> -> memref<128xi32, #tpu.memory_space<hbm>>
        tpu.enqueue_dma source(%dma_start3A_62 : memref<128xi32, #tpu.memory_space<hbm>>) target(%arg12 : memref<128xi32, #tpu.memory_space<vmem>>) target_semaphore(%run_scoped3A_48 : memref<!tpu.dma_semaphore, #tpu.memory_space<semaphore_mem>>)
        %dma_wait3A_63 = arith.constant 0 : i32
        %dma_wait3A_64 = arith.constant 0 : i32
        %dma_wait3A_65 = tpu.memref_slice %arg4[%arg1, %dma_wait3A_63, %dma_wait3A_64] : memref<16x158x128xi32, #tpu.memory_space<hbm>> -> memref<1x158x128xi32, #tpu.memory_space<hbm>>
        %dma_wait3A_66 = tpu.memref_squeeze %dma_wait3A_65 : memref<1x158x128xi32, #tpu.memory_space<hbm>> -> memref<158x128xi32, #tpu.memory_space<hbm>>
        %dma_wait3A_67 = arith.constant 0 : i32
        %dma_wait3A_68 = tpu.memref_slice %dma_wait3A_66[%add3A_25, %dma_wait3A_67] : memref<158x128xi32, #tpu.memory_space<hbm>> -> memref<1x128xi32, #tpu.memory_space<hbm>>
        %dma_wait3A_69 = tpu.memref_squeeze %dma_wait3A_68 : memref<1x128xi32, #tpu.memory_space<hbm>> -> memref<128xi32, #tpu.memory_space<hbm>>
        %dma_wait3A_70 = arith.constant 0 : i32
        %dma_wait3A_71 = arith.constant 0 : i32
        %dma_wait3A_72 = tpu.memref_slice %arg4[%arg1, %dma_wait3A_70, %dma_wait3A_71] : memref<16x158x128xi32, #tpu.memory_space<hbm>> -> memref<1x158x128xi32, #tpu.memory_space<hbm>>
        %dma_wait3A_73 = tpu.memref_squeeze %dma_wait3A_72 : memref<1x158x128xi32, #tpu.memory_space<hbm>> -> memref<158x128xi32, #tpu.memory_space<hbm>>
        %dma_wait3A_74 = arith.constant 0 : i32
        %dma_wait3A_75 = tpu.memref_slice %dma_wait3A_73[%add3A_25, %dma_wait3A_74] : memref<158x128xi32, #tpu.memory_space<hbm>> -> memref<1x128xi32, #tpu.memory_space<hbm>>
        %dma_wait3A_76 = tpu.memref_squeeze %dma_wait3A_75 : memref<1x128xi32, #tpu.memory_space<hbm>> -> memref<128xi32, #tpu.memory_space<hbm>>
        tpu.wait_dma2 semaphore(%run_scoped3A_48 : memref<!tpu.dma_semaphore, #tpu.memory_space<semaphore_mem>>) src(%dma_wait3A_76 : memref<128xi32, #tpu.memory_space<hbm>>) dst(%arg12 : memref<128xi32, #tpu.memory_space<vmem>>)
        tpu.yield
      }) : () -> ()
      %dma_start3A_26 = arith.constant 0 : i32
      %dma_start3A_27 = arith.constant 0 : i32
      %dma_start3A_28 = tpu.memref_slice %arg2[%arg0, %dma_start3A_26, %dma_start3A_27] : memref<2x10000x128xf32, #tpu.memory_space<hbm>> -> memref<1x10000x128xf32, #tpu.memory_space<hbm>>
      %dma_start3A_29 = tpu.memref_squeeze %dma_start3A_28 : memref<1x10000x128xf32, #tpu.memory_space<hbm>> -> memref<10000x128xf32, #tpu.memory_space<hbm>>
      %dma_start3A_30 = arith.constant 0 : i32
      %dma_start3A_31 = arith.constant 0 : i32
      %dma_start3A_32 = tpu.memref_slice %dma_start3A_29[%dma_start3A_30, %dma_start3A_31] : memref<10000x128xf32, #tpu.memory_space<hbm>> -> memref<10000x128xf32, #tpu.memory_space<hbm>>
      tpu.enqueue_indirect_dma source(%dma_start3A_32 : memref<10000x128xf32, #tpu.memory_space<hbm>>) target(%arg13 : memref<128x128xf32, #tpu.memory_space<vmem>>) offsets(%arg11 : memref<128xi32, #tpu.memory_space<vmem>>) semaphore(%arg14 : memref<!tpu.dma_semaphore, #tpu.memory_space<semaphore_mem>>)
      %dma_wait3A = arith.constant 0 : i32
      %dma_wait3A_33 = arith.constant 0 : i32
      %dma_wait3A_34 = tpu.memref_slice %arg2[%arg0, %dma_wait3A, %dma_wait3A_33] : memref<2x10000x128xf32, #tpu.memory_space<hbm>> -> memref<1x10000x128xf32, #tpu.memory_space<hbm>>
      %dma_wait3A_35 = tpu.memref_squeeze %dma_wait3A_34 : memref<1x10000x128xf32, #tpu.memory_space<hbm>> -> memref<10000x128xf32, #tpu.memory_space<hbm>>
      %dma_wait3A_36 = arith.constant 0 : i32
      %dma_wait3A_37 = arith.constant 0 : i32
      %dma_wait3A_38 = tpu.memref_slice %dma_wait3A_35[%dma_wait3A_36, %dma_wait3A_37] : memref<10000x128xf32, #tpu.memory_space<hbm>> -> memref<10000x128xf32, #tpu.memory_space<hbm>>
      tpu.wait_indirect_dma semaphore(%arg10 : memref<!tpu.dma_semaphore, #tpu.memory_space<semaphore_mem>>) src(%dma_wait3A_38 : memref<10000x128xf32, #tpu.memory_space<hbm>>) dst(%arg9 : memref<128x128xf32, #tpu.memory_space<vmem>>)
      "tpu.region"() ({
        %run_scoped3A_48 = tpu.sem_alloc : memref<!tpu.dma_semaphore, #tpu.memory_space<semaphore_mem>>
        %dma_start3A_49 = arith.constant 0 : i32
        %dma_start3A_50 = arith.constant 0 : i32
        %dma_start3A_51 = tpu.memref_slice %arg15[%dma_start3A_49, %dma_start3A_50] : memref<10240x128xf32, #tpu.memory_space<vmem_shared>> -> memref<10240x128xf32, #tpu.memory_space<vmem_shared>>
        tpu.enqueue_indirect_dma source(%arg9 : memref<128x128xf32, #tpu.memory_space<vmem>>) target(%dma_start3A_51 : memref<10240x128xf32, #tpu.memory_space<vmem_shared>>) offsets(%arg8 : memref<128xi32, #tpu.memory_space<vmem>>) semaphore(%run_scoped3A_48 : memref<!tpu.dma_semaphore, #tpu.memory_space<semaphore_mem>>) {add = true}
        %dma_wait3A_52 = arith.constant 0 : i32
        %dma_wait3A_53 = arith.constant 0 : i32
        %dma_wait3A_54 = tpu.memref_slice %arg15[%dma_wait3A_52, %dma_wait3A_53] : memref<10240x128xf32, #tpu.memory_space<vmem_shared>> -> memref<10240x128xf32, #tpu.memory_space<vmem_shared>>
        tpu.wait_indirect_dma semaphore(%run_scoped3A_48 : memref<!tpu.dma_semaphore, #tpu.memory_space<semaphore_mem>>) src(%arg9 : memref<128x128xf32, #tpu.memory_space<vmem>>) dst(%dma_wait3A_54 : memref<10240x128xf32, #tpu.memory_space<vmem_shared>>)
        tpu.yield
      }) : () -> ()
      %lt3A = arith.constant 78 : i32
      %lt3A_39 = arith.cmpi slt, %scan3A_20, %lt3A : i32
      %convert_element_type3A = arith.extui %lt3A_39 : i1 to i32
      %cond3A = arith.constant 0 : i32
      %cond3A_40 = arith.cmpi ne, %convert_element_type3A, %cond3A : i32
      scf.if %cond3A_40 {
        %add3A_48 = arith.constant 2 : i32
        %add3A_49 = arith.addi %mul3A_22, %add3A_48 : i32
        "tpu.region"() ({
          %run_scoped3A_59 = tpu.sem_alloc : memref<!tpu.dma_semaphore, #tpu.memory_space<semaphore_mem>>
          %dma_start3A_60 = arith.constant 0 : i32
          %dma_start3A_61 = arith.constant 0 : i32
          %dma_start3A_62 = tpu.memref_slice %arg3[%arg1, %dma_start3A_60, %dma_start3A_61] : memref<16x158x128xi32, #tpu.memory_space<hbm>> -> memref<1x158x128xi32, #tpu.memory_space<hbm>>
          %dma_start3A_63 = tpu.memref_squeeze %dma_start3A_62 : memref<1x158x128xi32, #tpu.memory_space<hbm>> -> memref<158x128xi32, #tpu.memory_space<hbm>>
          %dma_start3A_64 = arith.constant 0 : i32
          %dma_start3A_65 = tpu.memref_slice %dma_start3A_63[%add3A_49, %dma_start3A_64] : memref<158x128xi32, #tpu.memory_space<hbm>> -> memref<1x128xi32, #tpu.memory_space<hbm>>
          %dma_start3A_66 = tpu.memref_squeeze %dma_start3A_65 : memref<1x128xi32, #tpu.memory_space<hbm>> -> memref<128xi32, #tpu.memory_space<hbm>>
          %dma_start3A_67 = arith.constant 0 : i32
          %dma_start3A_68 = arith.constant 0 : i32
          %dma_start3A_69 = tpu.memref_slice %arg3[%arg1, %dma_start3A_67, %dma_start3A_68] : memref<16x158x128xi32, #tpu.memory_space<hbm>> -> memref<1x158x128xi32, #tpu.memory_space<hbm>>
          %dma_start3A_70 = tpu.memref_squeeze %dma_start3A_69 : memref<1x158x128xi32, #tpu.memory_space<hbm>> -> memref<158x128xi32, #tpu.memory_space<hbm>>
          %dma_start3A_71 = arith.constant 0 : i32
          %dma_start3A_72 = tpu.memref_slice %dma_start3A_70[%add3A_49, %dma_start3A_71] : memref<158x128xi32, #tpu.memory_space<hbm>> -> memref<1x128xi32, #tpu.memory_space<hbm>>
          %dma_start3A_73 = tpu.memref_squeeze %dma_start3A_72 : memref<1x128xi32, #tpu.memory_space<hbm>> -> memref<128xi32, #tpu.memory_space<hbm>>
          tpu.enqueue_dma source(%dma_start3A_73 : memref<128xi32, #tpu.memory_space<hbm>>) target(%arg7 : memref<128xi32, #tpu.memory_space<vmem>>) target_semaphore(%run_scoped3A_59 : memref<!tpu.dma_semaphore, #tpu.memory_space<semaphore_mem>>)
          %dma_wait3A_74 = arith.constant 0 : i32
          %dma_wait3A_75 = arith.constant 0 : i32
          %dma_wait3A_76 = tpu.memref_slice %arg3[%arg1, %dma_wait3A_74, %dma_wait3A_75] : memref<16x158x128xi32, #tpu.memory_space<hbm>> -> memref<1x158x128xi32, #tpu.memory_space<hbm>>
          %dma_wait3A_77 = tpu.memref_squeeze %dma_wait3A_76 : memref<1x158x128xi32, #tpu.memory_space<hbm>> -> memref<158x128xi32, #tpu.memory_space<hbm>>
          %dma_wait3A_78 = arith.constant 0 : i32
          %dma_wait3A_79 = tpu.memref_slice %dma_wait3A_77[%add3A_49, %dma_wait3A_78] : memref<158x128xi32, #tpu.memory_space<hbm>> -> memref<1x128xi32, #tpu.memory_space<hbm>>
          %dma_wait3A_80 = tpu.memref_squeeze %dma_wait3A_79 : memref<1x128xi32, #tpu.memory_space<hbm>> -> memref<128xi32, #tpu.memory_space<hbm>>
          %dma_wait3A_81 = arith.constant 0 : i32
          %dma_wait3A_82 = arith.constant 0 : i32
          %dma_wait3A_83 = tpu.memref_slice %arg3[%arg1, %dma_wait3A_81, %dma_wait3A_82] : memref<16x158x128xi32, #tpu.memory_space<hbm>> -> memref<1x158x128xi32, #tpu.memory_space<hbm>>
          %dma_wait3A_84 = tpu.memref_squeeze %dma_wait3A_83 : memref<1x158x128xi32, #tpu.memory_space<hbm>> -> memref<158x128xi32, #tpu.memory_space<hbm>>
          %dma_wait3A_85 = arith.constant 0 : i32
          %dma_wait3A_86 = tpu.memref_slice %dma_wait3A_84[%add3A_49, %dma_wait3A_85] : memref<158x128xi32, #tpu.memory_space<hbm>> -> memref<1x128xi32, #tpu.memory_space<hbm>>
          %dma_wait3A_87 = tpu.memref_squeeze %dma_wait3A_86 : memref<1x128xi32, #tpu.memory_space<hbm>> -> memref<128xi32, #tpu.memory_space<hbm>>
          tpu.wait_dma2 semaphore(%run_scoped3A_59 : memref<!tpu.dma_semaphore, #tpu.memory_space<semaphore_mem>>) src(%dma_wait3A_87 : memref<128xi32, #tpu.memory_space<hbm>>) dst(%arg7 : memref<128xi32, #tpu.memory_space<vmem>>)
          tpu.yield
        }) : () -> ()
        %add3A_50 = arith.constant 2 : i32
        %add3A_51 = arith.addi %mul3A_22, %add3A_50 : i32
        "tpu.region"() ({
          %run_scoped3A_59 = tpu.sem_alloc : memref<!tpu.dma_semaphore, #tpu.memory_space<semaphore_mem>>
          %dma_start3A_60 = arith.constant 0 : i32
          %dma_start3A_61 = arith.constant 0 : i32
          %dma_start3A_62 = tpu.memref_slice %arg4[%arg1, %dma_start3A_60, %dma_start3A_61] : memref<16x158x128xi32, #tpu.memory_space<hbm>> -> memref<1x158x128xi32, #tpu.memory_space<hbm>>
          %dma_start3A_63 = tpu.memref_squeeze %dma_start3A_62 : memref<1x158x128xi32, #tpu.memory_space<hbm>> -> memref<158x128xi32, #tpu.memory_space<hbm>>
          %dma_start3A_64 = arith.constant 0 : i32
          %dma_start3A_65 = tpu.memref_slice %dma_start3A_63[%add3A_51, %dma_start3A_64] : memref<158x128xi32, #tpu.memory_space<hbm>> -> memref<1x128xi32, #tpu.memory_space<hbm>>
          %dma_start3A_66 = tpu.memref_squeeze %dma_start3A_65 : memref<1x128xi32, #tpu.memory_space<hbm>> -> memref<128xi32, #tpu.memory_space<hbm>>
          %dma_start3A_67 = arith.constant 0 : i32
          %dma_start3A_68 = arith.constant 0 : i32
          %dma_start3A_69 = tpu.memref_slice %arg4[%arg1, %dma_start3A_67, %dma_start3A_68] : memref<16x158x128xi32, #tpu.memory_space<hbm>> -> memref<1x158x128xi32, #tpu.memory_space<hbm>>
          %dma_start3A_70 = tpu.memref_squeeze %dma_start3A_69 : memref<1x158x128xi32, #tpu.memory_space<hbm>> -> memref<158x128xi32, #tpu.memory_space<hbm>>
          %dma_start3A_71 = arith.constant 0 : i32
          %dma_start3A_72 = tpu.memref_slice %dma_start3A_70[%add3A_51, %dma_start3A_71] : memref<158x128xi32, #tpu.memory_space<hbm>> -> memref<1x128xi32, #tpu.memory_space<hbm>>
          %dma_start3A_73 = tpu.memref_squeeze %dma_start3A_72 : memref<1x128xi32, #tpu.memory_space<hbm>> -> memref<128xi32, #tpu.memory_space<hbm>>
          tpu.enqueue_dma source(%dma_start3A_73 : memref<128xi32, #tpu.memory_space<hbm>>) target(%arg8 : memref<128xi32, #tpu.memory_space<vmem>>) target_semaphore(%run_scoped3A_59 : memref<!tpu.dma_semaphore, #tpu.memory_space<semaphore_mem>>)
          %dma_wait3A_74 = arith.constant 0 : i32
          %dma_wait3A_75 = arith.constant 0 : i32
          %dma_wait3A_76 = tpu.memref_slice %arg4[%arg1, %dma_wait3A_74, %dma_wait3A_75] : memref<16x158x128xi32, #tpu.memory_space<hbm>> -> memref<1x158x128xi32, #tpu.memory_space<hbm>>
          %dma_wait3A_77 = tpu.memref_squeeze %dma_wait3A_76 : memref<1x158x128xi32, #tpu.memory_space<hbm>> -> memref<158x128xi32, #tpu.memory_space<hbm>>
          %dma_wait3A_78 = arith.constant 0 : i32
          %dma_wait3A_79 = tpu.memref_slice %dma_wait3A_77[%add3A_51, %dma_wait3A_78] : memref<158x128xi32, #tpu.memory_space<hbm>> -> memref<1x128xi32, #tpu.memory_space<hbm>>
          %dma_wait3A_80 = tpu.memref_squeeze %dma_wait3A_79 : memref<1x128xi32, #tpu.memory_space<hbm>> -> memref<128xi32, #tpu.memory_space<hbm>>
          %dma_wait3A_81 = arith.constant 0 : i32
          %dma_wait3A_82 = arith.constant 0 : i32
          %dma_wait3A_83 = tpu.memref_slice %arg4[%arg1, %dma_wait3A_81, %dma_wait3A_82] : memref<16x158x128xi32, #tpu.memory_space<hbm>> -> memref<1x158x128xi32, #tpu.memory_space<hbm>>
          %dma_wait3A_84 = tpu.memref_squeeze %dma_wait3A_83 : memref<1x158x128xi32, #tpu.memory_space<hbm>> -> memref<158x128xi32, #tpu.memory_space<hbm>>
          %dma_wait3A_85 = arith.constant 0 : i32
          %dma_wait3A_86 = tpu.memref_slice %dma_wait3A_84[%add3A_51, %dma_wait3A_85] : memref<158x128xi32, #tpu.memory_space<hbm>> -> memref<1x128xi32, #tpu.memory_space<hbm>>
          %dma_wait3A_87 = tpu.memref_squeeze %dma_wait3A_86 : memref<1x128xi32, #tpu.memory_space<hbm>> -> memref<128xi32, #tpu.memory_space<hbm>>
          tpu.wait_dma2 semaphore(%run_scoped3A_59 : memref<!tpu.dma_semaphore, #tpu.memory_space<semaphore_mem>>) src(%dma_wait3A_87 : memref<128xi32, #tpu.memory_space<hbm>>) dst(%arg8 : memref<128xi32, #tpu.memory_space<vmem>>)
          tpu.yield
        }) : () -> ()
        %dma_start3A_52 = arith.constant 0 : i32
        %dma_start3A_53 = arith.constant 0 : i32
        %dma_start3A_54 = tpu.memref_slice %arg2[%arg0, %dma_start3A_52, %dma_start3A_53] : memref<2x10000x128xf32, #tpu.memory_space<hbm>> -> memref<1x10000x128xf32, #tpu.memory_space<hbm>>
        %dma_start3A_55 = tpu.memref_squeeze %dma_start3A_54 : memref<1x10000x128xf32, #tpu.memory_space<hbm>> -> memref<10000x128xf32, #tpu.memory_space<hbm>>
        %dma_start3A_56 = arith.constant 0 : i32
        %dma_start3A_57 = arith.constant 0 : i32
        %dma_start3A_58 = tpu.memref_slice %dma_start3A_55[%dma_start3A_56, %dma_start3A_57] : memref<10000x128xf32, #tpu.memory_space<hbm>> -> memref<10000x128xf32, #tpu.memory_space<hbm>>
        tpu.enqueue_indirect_dma source(%dma_start3A_58 : memref<10000x128xf32, #tpu.memory_space<hbm>>) target(%arg9 : memref<128x128xf32, #tpu.memory_space<vmem>>) offsets(%arg7 : memref<128xi32, #tpu.memory_space<vmem>>) semaphore(%arg10 : memref<!tpu.dma_semaphore, #tpu.memory_space<semaphore_mem>>)
      } else {
      }
      %dma_wait3A_41 = arith.constant 0 : i32
      %dma_wait3A_42 = arith.constant 0 : i32
      %dma_wait3A_43 = tpu.memref_slice %arg2[%arg0, %dma_wait3A_41, %dma_wait3A_42] : memref<2x10000x128xf32, #tpu.memory_space<hbm>> -> memref<1x10000x128xf32, #tpu.memory_space<hbm>>
      %dma_wait3A_44 = tpu.memref_squeeze %dma_wait3A_43 : memref<1x10000x128xf32, #tpu.memory_space<hbm>> -> memref<10000x128xf32, #tpu.memory_space<hbm>>
      %dma_wait3A_45 = arith.constant 0 : i32
      %dma_wait3A_46 = arith.constant 0 : i32
      %dma_wait3A_47 = tpu.memref_slice %dma_wait3A_44[%dma_wait3A_45, %dma_wait3A_46] : memref<10000x128xf32, #tpu.memory_space<hbm>> -> memref<10000x128xf32, #tpu.memory_space<hbm>>
      tpu.wait_indirect_dma semaphore(%arg14 : memref<!tpu.dma_semaphore, #tpu.memory_space<semaphore_mem>>) src(%dma_wait3A_47 : memref<10000x128xf32, #tpu.memory_space<hbm>>) dst(%arg13 : memref<128x128xf32, #tpu.memory_space<vmem>>)
      "tpu.region"() ({
        %run_scoped3A_48 = tpu.sem_alloc : memref<!tpu.dma_semaphore, #tpu.memory_space<semaphore_mem>>
        %dma_start3A_49 = arith.constant 0 : i32
        %dma_start3A_50 = arith.constant 0 : i32
        %dma_start3A_51 = tpu.memref_slice %arg15[%dma_start3A_49, %dma_start3A_50] : memref<10240x128xf32, #tpu.memory_space<vmem_shared>> -> memref<10240x128xf32, #tpu.memory_space<vmem_shared>>
        tpu.enqueue_indirect_dma source(%arg13 : memref<128x128xf32, #tpu.memory_space<vmem>>) target(%dma_start3A_51 : memref<10240x128xf32, #tpu.memory_space<vmem_shared>>) offsets(%arg12 : memref<128xi32, #tpu.memory_space<vmem>>) semaphore(%run_scoped3A_48 : memref<!tpu.dma_semaphore, #tpu.memory_space<semaphore_mem>>) {add = true}
        %dma_wait3A_52 = arith.constant 0 : i32
        %dma_wait3A_53 = arith.constant 0 : i32
        %dma_wait3A_54 = tpu.memref_slice %arg15[%dma_wait3A_52, %dma_wait3A_53] : memref<10240x128xf32, #tpu.memory_space<vmem_shared>> -> memref<10240x128xf32, #tpu.memory_space<vmem_shared>>
        tpu.wait_indirect_dma semaphore(%run_scoped3A_48 : memref<!tpu.dma_semaphore, #tpu.memory_space<semaphore_mem>>) src(%arg13 : memref<128x128xf32, #tpu.memory_space<vmem>>) dst(%dma_wait3A_54 : memref<10240x128xf32, #tpu.memory_space<vmem_shared>>)
        tpu.yield
      }) : () -> ()
    }
    %scan3A_14 = arith.constant 79 : i32
    %barrier3A_15 = arith.constant 0 : index
    tpu.barrier barrier_id(%barrier3A_15)
    %mul3A_16 = arith.constant 640 : i32
    %mul3A_17 = arith.muli %arg1, %mul3A_16 : i32
    %mul3A_18 = arith.constant 640 : i32
    %mul3A_19 = arith.muli %arg1, %mul3A_18 : i32
    "tpu.region"() ({
      %run_scoped3A_20 = tpu.sem_alloc : memref<!tpu.dma_semaphore, #tpu.memory_space<semaphore_mem>>
      %dma_start3A_21 = arith.constant 0 : i32
      %dma_start3A_22 = arith.constant 0 : i32
      %dma_start3A_23 = tpu.memref_slice %arg6[%arg0, %dma_start3A_21, %dma_start3A_22] : memref<2x10240x128xf32, #tpu.memory_space<hbm>> -> memref<1x10240x128xf32, #tpu.memory_space<hbm>>
      %dma_start3A_24 = tpu.memref_squeeze %dma_start3A_23 : memref<1x10240x128xf32, #tpu.memory_space<hbm>> -> memref<10240x128xf32, #tpu.memory_space<hbm>>
      %dma_start3A_25 = arith.constant 0 : i32
      %dma_start3A_26 = tpu.memref_slice %dma_start3A_24[%mul3A_19, %dma_start3A_25] : memref<10240x128xf32, #tpu.memory_space<hbm>> -> memref<640x128xf32, #tpu.memory_space<hbm>>
      %dma_start3A_27 = arith.constant 0 : i32
      %dma_start3A_28 = tpu.memref_slice %arg15[%mul3A_17, %dma_start3A_27] : memref<10240x128xf32, #tpu.memory_space<vmem_shared>> -> memref<640x128xf32, #tpu.memory_space<vmem_shared>>
      tpu.enqueue_dma source(%dma_start3A_28 : memref<640x128xf32, #tpu.memory_space<vmem_shared>>) target(%dma_start3A_26 : memref<640x128xf32, #tpu.memory_space<hbm>>) target_semaphore(%run_scoped3A_20 : memref<!tpu.dma_semaphore, #tpu.memory_space<semaphore_mem>>)
      %dma_wait3A = arith.constant 0 : i32
      %dma_wait3A_29 = arith.constant 0 : i32
      %dma_wait3A_30 = tpu.memref_slice %arg6[%arg0, %dma_wait3A, %dma_wait3A_29] : memref<2x10240x128xf32, #tpu.memory_space<hbm>> -> memref<1x10240x128xf32, #tpu.memory_space<hbm>>
      %dma_wait3A_31 = tpu.memref_squeeze %dma_wait3A_30 : memref<1x10240x128xf32, #tpu.memory_space<hbm>> -> memref<10240x128xf32, #tpu.memory_space<hbm>>
      %dma_wait3A_32 = arith.constant 0 : i32
      %dma_wait3A_33 = tpu.memref_slice %dma_wait3A_31[%mul3A_19, %dma_wait3A_32] : memref<10240x128xf32, #tpu.memory_space<hbm>> -> memref<640x128xf32, #tpu.memory_space<hbm>>
      %dma_wait3A_34 = arith.constant 0 : i32
      %dma_wait3A_35 = tpu.memref_slice %arg15[%mul3A_17, %dma_wait3A_34] : memref<10240x128xf32, #tpu.memory_space<vmem_shared>> -> memref<640x128xf32, #tpu.memory_space<vmem_shared>>
      tpu.wait_dma2 semaphore(%run_scoped3A_20 : memref<!tpu.dma_semaphore, #tpu.memory_space<semaphore_mem>>) src(%dma_wait3A_35 : memref<640x128xf32, #tpu.memory_space<vmem_shared>>) dst(%dma_wait3A_33 : memref<640x128xf32, #tpu.memory_space<hbm>>)
      tpu.yield
    }) : () -> ()
    return
  }
}

module attributes {stable_mosaic.version = 14 : i64} {
  func.func @_matmul_body(%arg0: i32, %arg1: memref<1000x128xf32, #tpu.memory_space<vmem>>, %arg2: memref<128x128xf32, #tpu.memory_space<vmem>>, %arg3: memref<1000x128xf32, #tpu.memory_space<vmem>>) attributes {dimension_semantics = [#tpu.dimension_semantics<arbitrary>], iteration_bounds = array<i64: 10>, scalar_prefetch = 0 : i64, scratch_operands = 0 : i64, tpu.core_type = #tpu.core_type<tc>, window_params = [{transform_indices = @transform_0, window_bounds = array<i64: 1000, 128>}, {pipeline_mode = #tpu.pipeline_mode<synchronous>, transform_indices = @transform_1, window_bounds = array<i64: 128, 128>}, {transform_indices = @transform_2, window_bounds = array<i64: 1000, 128>}]} {
    %get3A = arith.constant 0 : index
    %get3A_0 = arith.constant 0 : index
    %get3A_1 = vector.load %arg1[%get3A, %get3A_0] : memref<1000x128xf32, #tpu.memory_space<vmem>>, vector<1000x128xf32>
    %get3A_2 = arith.constant 0 : index
    %get3A_3 = arith.constant 0 : index
    %get3A_4 = vector.load %arg2[%get3A_2, %get3A_3] : memref<128x128xf32, #tpu.memory_space<vmem>>, vector<128x128xf32>
    %dot_general3A = arith.constant dense<0.000000e+00> : vector<1000x128xf32>
    %dot_general3A_5 = tpu.matmul %get3A_1, %get3A_4, %dot_general3A {dimension_numbers = #tpu.dot_dimension_numbers<[1], [0], [0], [1], [0, 0, 1, 1], [], []>, transpose_lhs_hint = false} : vector<1000x128xf32>, vector<128x128xf32>, vector<1000x128xf32> -> vector<1000x128xf32>
    %swap3A = arith.constant 0 : index
    %swap3A_6 = arith.constant 0 : index
    %swap3A_7 = vector.load %arg3[%swap3A, %swap3A_6] : memref<1000x128xf32, #tpu.memory_space<vmem>>, vector<1000x128xf32>
    tpu.vector_store %arg3[%swap3A, %swap3A_6], %dot_general3A_5 {strides = array<i32>} : memref<1000x128xf32, #tpu.memory_space<vmem>>, vector<1000x128xf32>,
    return
  }
  func.func @transform_0(%arg0: i32) -> (i32, i32) {
    %c0_i32 = arith.constant 0 : i32
    %c0_i32_0 = arith.constant 0 : i32
    return %arg0, %c0_i32 : i32, i32
  }
  func.func @transform_1(%arg0: i32) -> (i32, i32) {
    %c0_i32 = arith.constant 0 : i32
    %c0_i32_0 = arith.constant 0 : i32
    %c0_i32_1 = arith.constant 0 : i32
    return %c0_i32, %c0_i32_0 : i32, i32
  }
  func.func @transform_2(%arg0: i32) -> (i32, i32) {
    %c0_i32 = arith.constant 0 : i32
    %c0_i32_0 = arith.constant 0 : i32
    return %arg0, %c0_i32 : i32, i32
  }
}

module attributes {stable_mosaic.version = 14 : i64} {
  func.func @_table_body(%arg0: i32, %arg1: memref<1000x128xf32, #tpu.memory_space<vmem>>, %arg2: memref<1000x128xf32, #tpu.memory_space<vmem>>, %arg3: memref<2x1000x128xf32, #tpu.memory_space<vmem>>, %arg4: memref<1x128xf32, #tpu.memory_space<vmem>>, %arg5: memref<2x1000x128xf32, #tpu.memory_space<vmem>>, %arg6: memref<1000x1xf32, #tpu.memory_space<vmem>>) attributes {dimension_semantics = [#tpu.dimension_semantics<arbitrary>], iteration_bounds = array<i64: 10>, scalar_prefetch = 0 : i64, scratch_operands = 0 : i64, tpu.core_type = #tpu.core_type<tc>, window_params = [{transform_indices = @transform_0, window_bounds = array<i64: 1000, 128>}, {transform_indices = @transform_1, window_bounds = array<i64: 1000, 128>}, {transform_indices = @transform_2, window_bounds = array<i64: 2, 1000, 128>}, {pipeline_mode = #tpu.pipeline_mode<synchronous>, transform_indices = @transform_3, window_bounds = array<i64: 1, 128>}, {transform_indices = @transform_4, window_bounds = array<i64: 2, 1000, 128>}, {transform_indices = @transform_5, window_bounds = array<i64: 1000, 1>}]} {
    %get3A = arith.constant 0 : index
    %get3A_0 = arith.constant 0 : index
    %get3A_1 = arith.constant 0 : index
    %get3A_2 = vector.load %arg3[%get3A, %get3A_0, %get3A_1] : memref<2x1000x128xf32, #tpu.memory_space<vmem>>, vector<1x1000x1xf32>
    %get3A_3 = vector.shape_cast %get3A_2 : vector<1x1000x1xf32> to vector<1000x1xf32>
    %get3A_4 = arith.constant 1 : index
    %get3A_5 = arith.constant 0 : index
    %get3A_6 = arith.constant 0 : index
    %get3A_7 = vector.load %arg3[%get3A_4, %get3A_5, %get3A_6] : memref<2x1000x128xf32, #tpu.memory_space<vmem>>, vector<1x1000x1xf32>
    %get3A_8 = vector.shape_cast %get3A_7 : vector<1x1000x1xf32> to vector<1000x1xf32>
    %add3A = arith.addf %get3A_3, %get3A_8 : vector<1000x1xf32>
    %max3A = arith.constant 1.000000e+00 : f32
    %max3A_9 = vector.broadcast %max3A : f32 to vector<1000x1xf32>
    %max3A_10 = arith.maximumf %add3A, %max3A_9 : vector<1000x1xf32>
    %rsqrt3A = math.rsqrt %max3A_10 : vector<1000x1xf32>
    %get3A_11 = arith.constant 0 : index
    %get3A_12 = arith.constant 0 : index
    %get3A_13 = vector.load %arg4[%get3A_11, %get3A_12] : memref<1x128xf32, #tpu.memory_space<vmem>>, vector<1x128xf32>
    %get3A_14 = arith.constant 0 : index
    %get3A_15 = arith.constant 0 : index
    %get3A_16 = vector.load %arg1[%get3A_14, %get3A_15] : memref<1000x128xf32, #tpu.memory_space<vmem>>, vector<1000x128xf32>
    %add3A_17 = vector.broadcast %get3A_13 : vector<1x128xf32> to vector<1000x128xf32>
    %add3A_18 = arith.addf %get3A_16, %add3A_17 : vector<1000x128xf32>
    %mul3A = vector.broadcast %rsqrt3A : vector<1000x1xf32> to vector<1000x128xf32>
    %mul3A_19 = arith.mulf %add3A_18, %mul3A : vector<1000x128xf32>
    %swap3A = arith.constant 0 : index
    %swap3A_20 = arith.constant 0 : index
    %swap3A_21 = arith.constant 0 : index
    %swap3A_22 = vector.load %arg5[%swap3A, %swap3A_20, %swap3A_21] : memref<2x1000x128xf32, #tpu.memory_space<vmem>>, vector<1x1000x128xf32>
    %swap3A_23 = vector.shape_cast %swap3A_22 : vector<1x1000x128xf32> to vector<1000x128xf32>
    %swap3A_24 = vector.shape_cast %mul3A_19 : vector<1000x128xf32> to vector<1x1000x128xf32>
    tpu.vector_store %arg5[%swap3A, %swap3A_20, %swap3A_21], %swap3A_24 {strides = array<i32>} : memref<2x1000x128xf32, #tpu.memory_space<vmem>>, vector<1x1000x128xf32>,
    %get3A_25 = arith.constant 0 : index
    %get3A_26 = arith.constant 0 : index
    %get3A_27 = vector.load %arg2[%get3A_25, %get3A_26] : memref<1000x128xf32, #tpu.memory_space<vmem>>, vector<1000x128xf32>
    %add3A_28 = vector.broadcast %get3A_13 : vector<1x128xf32> to vector<1000x128xf32>
    %add3A_29 = arith.addf %get3A_27, %add3A_28 : vector<1000x128xf32>
    %mul3A_30 = vector.broadcast %rsqrt3A : vector<1000x1xf32> to vector<1000x128xf32>
    %mul3A_31 = arith.mulf %add3A_29, %mul3A_30 : vector<1000x128xf32>
    %swap3A_32 = arith.constant 1 : index
    %swap3A_33 = arith.constant 0 : index
    %swap3A_34 = arith.constant 0 : index
    %swap3A_35 = vector.load %arg5[%swap3A_32, %swap3A_33, %swap3A_34] : memref<2x1000x128xf32, #tpu.memory_space<vmem>>, vector<1x1000x128xf32>
    %swap3A_36 = vector.shape_cast %swap3A_35 : vector<1x1000x128xf32> to vector<1000x128xf32>
    %swap3A_37 = vector.shape_cast %mul3A_31 : vector<1000x128xf32> to vector<1x1000x128xf32>
    tpu.vector_store %arg5[%swap3A_32, %swap3A_33, %swap3A_34], %swap3A_37 {strides = array<i32>} : memref<2x1000x128xf32, #tpu.memory_space<vmem>>, vector<1x1000x128xf32>,
    %swap3A_38 = arith.constant 0 : index
    %swap3A_39 = arith.constant 0 : index
    %swap3A_40 = vector.load %arg6[%swap3A_38, %swap3A_39] : memref<1000x1xf32, #tpu.memory_space<vmem>>, vector<1000x1xf32>
    tpu.vector_store %arg6[%swap3A_38, %swap3A_39], %rsqrt3A {strides = array<i32>} : memref<1000x1xf32, #tpu.memory_space<vmem>>, vector<1000x1xf32>,
    return
  }
  func.func @transform_0(%arg0: i32) -> (i32, i32) {
    %c0_i32 = arith.constant 0 : i32
    %c0_i32_0 = arith.constant 0 : i32
    return %arg0, %c0_i32 : i32, i32
  }
  func.func @transform_1(%arg0: i32) -> (i32, i32) {
    %c0_i32 = arith.constant 0 : i32
    %c0_i32_0 = arith.constant 0 : i32
    return %arg0, %c0_i32 : i32, i32
  }
  func.func @transform_2(%arg0: i32) -> (i32, i32, i32) {
    %c0_i32 = arith.constant 0 : i32
    %c0_i32_0 = arith.constant 0 : i32
    %c0_i32_1 = arith.constant 0 : i32
    return %c0_i32, %arg0, %c0_i32_0 : i32, i32, i32
  }
  func.func @transform_3(%arg0: i32) -> (i32, i32) {
    %c0_i32 = arith.constant 0 : i32
    %c0_i32_0 = arith.constant 0 : i32
    %c0_i32_1 = arith.constant 0 : i32
    return %c0_i32, %c0_i32_0 : i32, i32
  }
  func.func @transform_4(%arg0: i32) -> (i32, i32, i32) {
    %c0_i32 = arith.constant 0 : i32
    %c0_i32_0 = arith.constant 0 : i32
    %c0_i32_1 = arith.constant 0 : i32
    return %c0_i32, %arg0, %c0_i32_0 : i32, i32, i32
  }
  func.func @transform_5(%arg0: i32) -> (i32, i32) {
    %c0_i32 = arith.constant 0 : i32
    %c0_i32_0 = arith.constant 0 : i32
    return %arg0, %c0_i32 : i32, i32
  }
}

module attributes {stable_mosaic.version = 14 : i64} {
  func.func @_embed_body(%arg0: i32, %arg1: memref<2x1024x128xf32, #tpu.memory_space<vmem>>, %arg2: memref<1024x1xf32, #tpu.memory_space<vmem>>, %arg3: memref<100x1024xf32, #tpu.memory_space<vmem>>, %arg4: memref<100x1xf32, #tpu.memory_space<vmem>>, %arg5: memref<1024x128xf32, #tpu.memory_space<vmem>>, %arg6: memref<1024x128xf32, #tpu.memory_space<vmem>>, %arg7: memref<100x128xf32, #tpu.memory_space<vmem>>, %arg8: memref<100x128xf32, #tpu.memory_space<vmem>>) attributes {dimension_semantics = [#tpu.dimension_semantics<arbitrary>], iteration_bounds = array<i64: 10>, scalar_prefetch = 0 : i64, scratch_operands = 1 : i64, tpu.core_type = #tpu.core_type<tc>, window_params = [{transform_indices = @transform_0, window_bounds = array<i64: 2, 1024, 128>}, {transform_indices = @transform_1, window_bounds = array<i64: 1024, 1>}, {transform_indices = @transform_2, window_bounds = array<i64: 100, 1024>}, {pipeline_mode = #tpu.pipeline_mode<synchronous>, transform_indices = @transform_3, window_bounds = array<i64: 100, 1>}, {transform_indices = @transform_4, window_bounds = array<i64: 1024, 128>}, {transform_indices = @transform_5, window_bounds = array<i64: 1024, 128>}, {pipeline_mode = #tpu.pipeline_mode<synchronous>, transform_indices = @transform_6, window_bounds = array<i64: 100, 128>}]} {
    %get3A = arith.constant 0 : index
    %get3A_0 = arith.constant 0 : index
    %get3A_1 = vector.load %arg2[%get3A, %get3A_0] : memref<1024x1xf32, #tpu.memory_space<vmem>>, vector<1024x1xf32>
    %iota3A = tpu.iota {dimensions = array<i32: 0>} : vector<1024x1xi32>
    %mul3A = arith.constant 1024 : i32
    %mul3A_2 = arith.muli %arg0, %mul3A : i32
    %add3A = vector.broadcast %mul3A_2 : i32 to vector<1024x1xi32>
    %add3A_3 = arith.addi %iota3A, %add3A : vector<1024x1xi32>
    %lt3A = arith.constant 10000 : i32
    %lt3A_4 = vector.broadcast %lt3A : i32 to vector<1024x1xi32>
    %lt3A_5 = arith.cmpi slt, %add3A_3, %lt3A_4 : vector<1024x1xi32>
    %get3A_6 = arith.constant 0 : index
    %get3A_7 = arith.constant 0 : index
    %get3A_8 = arith.constant 0 : index
    %get3A_9 = vector.load %arg1[%get3A_6, %get3A_7, %get3A_8] : memref<2x1024x128xf32, #tpu.memory_space<vmem>>, vector<1x1024x128xf32>
    %get3A_10 = vector.shape_cast %get3A_9 : vector<1x1024x128xf32> to vector<1024x128xf32>
    %mul3A_11 = vector.broadcast %get3A_1 : vector<1024x1xf32> to vector<1024x128xf32>
    %mul3A_12 = arith.mulf %get3A_10, %mul3A_11 : vector<1024x128xf32>
    %max3A = arith.constant 0.000000e+00 : f32
    %max3A_13 = vector.broadcast %max3A : f32 to vector<1024x128xf32>
    %max3A_14 = arith.maximumf %mul3A_12, %max3A_13 : vector<1024x128xf32>
    %jit3A = arith.constant 0.000000e+00 : f32
    %broadcast_in_dim3A = vector.shape_cast %lt3A_5 : vector<1024x1xi1> to vector<1024x1xi1>
    %broadcast_in_dim3A_15 = vector.broadcast %broadcast_in_dim3A : vector<1024x1xi1> to vector<1024x128xi1>
    %broadcast_in_dim3A_16 = vector.broadcast %jit3A : f32 to vector<1024x128xf32>
    %select_n3A = arith.select %broadcast_in_dim3A_15, %max3A_14, %broadcast_in_dim3A_16 : vector<1024x128xi1>, vector<1024x128xf32>
    %get3A_17 = arith.constant 1 : index
    %get3A_18 = arith.constant 0 : index
    %get3A_19 = arith.constant 0 : index
    %get3A_20 = vector.load %arg1[%get3A_17, %get3A_18, %get3A_19] : memref<2x1024x128xf32, #tpu.memory_space<vmem>>, vector<1x1024x128xf32>
    %get3A_21 = vector.shape_cast %get3A_20 : vector<1x1024x128xf32> to vector<1024x128xf32>
    %mul3A_22 = vector.broadcast %get3A_1 : vector<1024x1xf32> to vector<1024x128xf32>
    %mul3A_23 = arith.mulf %get3A_21, %mul3A_22 : vector<1024x128xf32>
    %max3A_24 = arith.constant 0.000000e+00 : f32
    %max3A_25 = vector.broadcast %max3A_24 : f32 to vector<1024x128xf32>
    %max3A_26 = arith.maximumf %mul3A_23, %max3A_25 : vector<1024x128xf32>
    %jit3A_27 = arith.constant 0.000000e+00 : f32
    %broadcast_in_dim3A_28 = vector.shape_cast %lt3A_5 : vector<1024x1xi1> to vector<1024x1xi1>
    %broadcast_in_dim3A_29 = vector.broadcast %broadcast_in_dim3A_28 : vector<1024x1xi1> to vector<1024x128xi1>
    %broadcast_in_dim3A_30 = vector.broadcast %jit3A_27 : f32 to vector<1024x128xf32>
    %select_n3A_31 = arith.select %broadcast_in_dim3A_29, %max3A_26, %broadcast_in_dim3A_30 : vector<1024x128xi1>, vector<1024x128xf32>
    %swap3A = arith.constant 0 : index
    %swap3A_32 = arith.constant 0 : index
    %swap3A_33 = vector.load %arg5[%swap3A, %swap3A_32] : memref<1024x128xf32, #tpu.memory_space<vmem>>, vector<1024x128xf32>
    tpu.vector_store %arg5[%swap3A, %swap3A_32], %select_n3A {strides = array<i32>} : memref<1024x128xf32, #tpu.memory_space<vmem>>, vector<1024x128xf32>,
    %swap3A_34 = arith.constant 0 : index
    %swap3A_35 = arith.constant 0 : index
    %swap3A_36 = vector.load %arg6[%swap3A_34, %swap3A_35] : memref<1024x128xf32, #tpu.memory_space<vmem>>, vector<1024x128xf32>
    tpu.vector_store %arg6[%swap3A_34, %swap3A_35], %select_n3A_31 {strides = array<i32>} : memref<1024x128xf32, #tpu.memory_space<vmem>>, vector<1024x128xf32>,
    %get3A_37 = arith.constant 0 : index
    %get3A_38 = arith.constant 0 : index
    %get3A_39 = vector.load %arg3[%get3A_37, %get3A_38] : memref<100x1024xf32, #tpu.memory_space<vmem>>, vector<100x1024xf32>
    %dot_general3A = arith.constant dense<0.000000e+00> : vector<100x128xf32>
    %dot_general3A_40 = tpu.matmul %get3A_39, %select_n3A, %dot_general3A {dimension_numbers = #tpu.dot_dimension_numbers<[1], [0], [0], [1], [0, 0, 1, 1], [], []>, transpose_lhs_hint = false} : vector<100x1024xf32>, vector<1024x128xf32>, vector<100x128xf32> -> vector<100x128xf32>
    %eq3A = arith.constant 0 : i32
    %eq3A_41 = arith.cmpi eq, %arg0, %eq3A : i32
    %convert_element_type3A = arith.extui %eq3A_41 : i1 to i32
    %cond3A = arith.constant 0 : i32
    %cond3A_42 = arith.cmpi ne, %convert_element_type3A, %cond3A : i32
    scf.if %cond3A_42 {
      %swap3A_52 = arith.constant 0 : index
      %swap3A_53 = arith.constant 0 : index
      %swap3A_54 = vector.load %arg8[%swap3A_52, %swap3A_53] : memref<100x128xf32, #tpu.memory_space<vmem>>, vector<100x128xf32>
      tpu.vector_store %arg8[%swap3A_52, %swap3A_53], %dot_general3A_40 {strides = array<i32>} : memref<100x128xf32, #tpu.memory_space<vmem>>, vector<100x128xf32>,
    } else {
    }
    %gt3A = arith.constant 0 : i32
    %gt3A_43 = arith.cmpi sgt, %arg0, %gt3A : i32
    %convert_element_type3A_44 = arith.extui %gt3A_43 : i1 to i32
    %cond3A_45 = arith.constant 0 : i32
    %cond3A_46 = arith.cmpi ne, %convert_element_type3A_44, %cond3A_45 : i32
    scf.if %cond3A_46 {
      %get3A_52 = arith.constant 0 : index
      %get3A_53 = arith.constant 0 : index
      %get3A_54 = vector.load %arg8[%get3A_52, %get3A_53] : memref<100x128xf32, #tpu.memory_space<vmem>>, vector<100x128xf32>
      %add3A_55 = arith.addf %get3A_54, %dot_general3A_40 : vector<100x128xf32>
      %swap3A_56 = arith.constant 0 : index
      %swap3A_57 = arith.constant 0 : index
      %swap3A_58 = vector.load %arg8[%swap3A_56, %swap3A_57] : memref<100x128xf32, #tpu.memory_space<vmem>>, vector<100x128xf32>
      tpu.vector_store %arg8[%swap3A_56, %swap3A_57], %add3A_55 {strides = array<i32>} : memref<100x128xf32, #tpu.memory_space<vmem>>, vector<100x128xf32>,
    } else {
    }
    %eq3A_47 = arith.constant 9 : i32
    %eq3A_48 = arith.cmpi eq, %arg0, %eq3A_47 : i32
    %convert_element_type3A_49 = arith.extui %eq3A_48 : i1 to i32
    %cond3A_50 = arith.constant 0 : i32
    %cond3A_51 = arith.cmpi ne, %convert_element_type3A_49, %cond3A_50 : i32
    scf.if %cond3A_51 {
      %get3A_52 = arith.constant 0 : index
      %get3A_53 = arith.constant 0 : index
      %get3A_54 = vector.load %arg8[%get3A_52, %get3A_53] : memref<100x128xf32, #tpu.memory_space<vmem>>, vector<100x128xf32>
      %get3A_55 = arith.constant 0 : index
      %get3A_56 = arith.constant 0 : index
      %get3A_57 = vector.load %arg4[%get3A_55, %get3A_56] : memref<100x1xf32, #tpu.memory_space<vmem>>, vector<100x1xf32>
      %div3A = vector.broadcast %get3A_57 : vector<100x1xf32> to vector<100x128xf32>
      %div3A_58 = arith.divf %get3A_54, %div3A : vector<100x128xf32>
      %max3A_59 = arith.constant 0.000000e+00 : f32
      %max3A_60 = vector.broadcast %max3A_59 : f32 to vector<100x128xf32>
      %max3A_61 = arith.maximumf %div3A_58, %max3A_60 : vector<100x128xf32>
      %swap3A_62 = arith.constant 0 : index
      %swap3A_63 = arith.constant 0 : index
      %swap3A_64 = vector.load %arg7[%swap3A_62, %swap3A_63] : memref<100x128xf32, #tpu.memory_space<vmem>>, vector<100x128xf32>
      tpu.vector_store %arg7[%swap3A_62, %swap3A_63], %max3A_61 {strides = array<i32>} : memref<100x128xf32, #tpu.memory_space<vmem>>, vector<100x128xf32>,
    } else {
    }
    return
  }
  func.func @transform_0(%arg0: i32) -> (i32, i32, i32) {
    %c0_i32 = arith.constant 0 : i32
    %c0_i32_0 = arith.constant 0 : i32
    %c0_i32_1 = arith.constant 0 : i32
    return %c0_i32, %arg0, %c0_i32_0 : i32, i32, i32
  }
  func.func @transform_1(%arg0: i32) -> (i32, i32) {
    %c0_i32 = arith.constant 0 : i32
    %c0_i32_0 = arith.constant 0 : i32
    return %arg0, %c0_i32 : i32, i32
  }
  func.func @transform_2(%arg0: i32) -> (i32, i32) {
    %c0_i32 = arith.constant 0 : i32
    %c0_i32_0 = arith.constant 0 : i32
    return %c0_i32, %arg0 : i32, i32
  }
  func.func @transform_3(%arg0: i32) -> (i32, i32) {
    %c0_i32 = arith.constant 0 : i32
    %c0_i32_0 = arith.constant 0 : i32
    %c0_i32_1 = arith.constant 0 : i32
    return %c0_i32, %c0_i32_0 : i32, i32
  }
  func.func @transform_4(%arg0: i32) -> (i32, i32) {
    %c0_i32 = arith.constant 0 : i32
    %c0_i32_0 = arith.constant 0 : i32
    return %arg0, %c0_i32 : i32, i32
  }
  func.func @transform_5(%arg0: i32) -> (i32, i32) {
    %c0_i32 = arith.constant 0 : i32
    %c0_i32_0 = arith.constant 0 : i32
    return %arg0, %c0_i32 : i32, i32
  }
  func.func @transform_6(%arg0: i32) -> (i32, i32) {
    %c0_i32 = arith.constant 0 : i32
    %c0_i32_0 = arith.constant 0 : i32
    %c0_i32_1 = arith.constant 0 : i32
    return %c0_i32, %c0_i32_0 : i32, i32
  }
}

module attributes {stable_mosaic.version = 14 : i64} {
  func.func @_loss_body(%arg0: i32, %arg1: memref<1000x128xf32, #tpu.memory_space<vmem>>, %arg2: memref<1000x128xf32, #tpu.memory_space<vmem>>, %arg3: memref<100x128xf32, #tpu.memory_space<vmem>>, %arg4: memref<1000x1xi32, #tpu.memory_space<vmem>>, %arg5: memref<1000x1xf32, #tpu.memory_space<vmem>>, %arg6: memref<1000x1xf32, #tpu.memory_space<vmem>>) attributes {dimension_semantics = [#tpu.dimension_semantics<arbitrary>], iteration_bounds = array<i64: 10>, scalar_prefetch = 0 : i64, scratch_operands = 0 : i64, tpu.core_type = #tpu.core_type<tc>, window_params = [{transform_indices = @transform_0, window_bounds = array<i64: 1000, 128>}, {transform_indices = @transform_1, window_bounds = array<i64: 1000, 128>}, {pipeline_mode = #tpu.pipeline_mode<synchronous>, transform_indices = @transform_2, window_bounds = array<i64: 100, 128>}, {transform_indices = @transform_3, window_bounds = array<i64: 1000, 1>}, {transform_indices = @transform_4, window_bounds = array<i64: 1000, 1>}, {transform_indices = @transform_5, window_bounds = array<i64: 1000, 1>}]} {
    %get3A = arith.constant 0 : index
    %get3A_0 = arith.constant 0 : index
    %get3A_1 = vector.load %arg3[%get3A, %get3A_0] : memref<100x128xf32, #tpu.memory_space<vmem>>, vector<100x128xf32>
    %get3A_2 = arith.constant 0 : index
    %get3A_3 = arith.constant 0 : index
    %get3A_4 = vector.load %arg4[%get3A_2, %get3A_3] : memref<1000x1xi32, #tpu.memory_space<vmem>>, vector<1000x1xi32>
    %get3A_5 = arith.constant 0 : index
    %get3A_6 = arith.constant 0 : index
    %get3A_7 = vector.load %arg1[%get3A_5, %get3A_6] : memref<1000x128xf32, #tpu.memory_space<vmem>>, vector<1000x128xf32>
    %dot_general3A = arith.constant dense<0.000000e+00> : vector<1000x100xf32>
    %dot_general3A_8 = tpu.matmul %get3A_7, %get3A_1, %dot_general3A {dimension_numbers = #tpu.dot_dimension_numbers<[1], [1], [0], [0], [0, 0, 1, 0], [], []>, transpose_lhs_hint = false} : vector<1000x128xf32>, vector<100x128xf32>, vector<1000x100xf32> -> vector<1000x100xf32>
    %get3A_9 = arith.constant 0 : index
    %get3A_10 = arith.constant 0 : index
    %get3A_11 = vector.load %arg2[%get3A_9, %get3A_10] : memref<1000x128xf32, #tpu.memory_space<vmem>>, vector<1000x128xf32>
    %dot_general3A_12 = arith.constant dense<0.000000e+00> : vector<1000x100xf32>
    %dot_general3A_13 = tpu.matmul %get3A_11, %get3A_1, %dot_general3A_12 {dimension_numbers = #tpu.dot_dimension_numbers<[1], [1], [0], [0], [0, 0, 1, 0], [], []>, transpose_lhs_hint = false} : vector<1000x128xf32>, vector<100x128xf32>, vector<1000x100xf32> -> vector<1000x100xf32>
    %iota3A = tpu.iota {dimensions = array<i32: 1>} : vector<1000x100xi32>
    %eq3A = vector.broadcast %get3A_4 : vector<1000x1xi32> to vector<1000x100xi32>
    %eq3A_14 = arith.cmpi eq, %iota3A, %eq3A : vector<1000x100xi32>
    %convert_element_type3A = arith.extui %eq3A_14 : vector<1000x100xi1> to vector<1000x100xi32>
    %convert_element_type3A_15 = arith.sitofp %convert_element_type3A : vector<1000x100xi32> to vector<1000x100xf32>
    %mul3A = arith.mulf %dot_general3A_8, %convert_element_type3A_15 : vector<1000x100xf32>
    %reduce_sum3A = arith.constant dense<0.000000e+00> : vector<1000xf32>
    %reduce_sum3A_16 = vector.multi_reduction <add>, %mul3A, %reduce_sum3A [1] : vector<1000x100xf32> to vector<1000xf32>
    %broadcast_in_dim3A = vector.shape_cast %reduce_sum3A_16 : vector<1000xf32> to vector<1000x1xf32>
    %mul3A_17 = arith.mulf %dot_general3A_13, %convert_element_type3A_15 : vector<1000x100xf32>
    %reduce_sum3A_18 = arith.constant dense<0.000000e+00> : vector<1000xf32>
    %reduce_sum3A_19 = vector.multi_reduction <add>, %mul3A_17, %reduce_sum3A_18 [1] : vector<1000x100xf32> to vector<1000xf32>
    %broadcast_in_dim3A_20 = vector.shape_cast %reduce_sum3A_19 : vector<1000xf32> to vector<1000x1xf32>
    %neg3A = arith.constant 0.000000e+00 : f32
    %neg3A_21 = vector.broadcast %neg3A : f32 to vector<1000x1xf32>
    %neg3A_22 = arith.subf %neg3A_21, %broadcast_in_dim3A : vector<1000x1xf32>
    %max3A = arith.constant 0.000000e+00 : f32
    %max3A_23 = vector.broadcast %max3A : f32 to vector<1000x1xf32>
    %max3A_24 = arith.maximumf %neg3A_22, %max3A_23 : vector<1000x1xf32>
    %abs3A = math.absf %neg3A_22 : vector<1000x1xf32>
    %neg3A_25 = arith.constant 0.000000e+00 : f32
    %neg3A_26 = vector.broadcast %neg3A_25 : f32 to vector<1000x1xf32>
    %neg3A_27 = arith.subf %neg3A_26, %abs3A : vector<1000x1xf32>
    %exp3A = math.exp %neg3A_27 : vector<1000x1xf32>
    %log1p3A = math.log1p %exp3A : vector<1000x1xf32>
    %add3A = arith.addf %max3A_24, %log1p3A : vector<1000x1xf32>
    %swap3A = arith.constant 0 : index
    %swap3A_28 = arith.constant 0 : index
    %swap3A_29 = vector.load %arg5[%swap3A, %swap3A_28] : memref<1000x1xf32, #tpu.memory_space<vmem>>, vector<1000x1xf32>
    tpu.vector_store %arg5[%swap3A, %swap3A_28], %add3A {strides = array<i32>} : memref<1000x1xf32, #tpu.memory_space<vmem>>, vector<1000x1xf32>,
    %max3A_30 = arith.constant 0.000000e+00 : f32
    %max3A_31 = vector.broadcast %max3A_30 : f32 to vector<1000x1xf32>
    %max3A_32 = arith.maximumf %broadcast_in_dim3A_20, %max3A_31 : vector<1000x1xf32>
    %abs3A_33 = math.absf %broadcast_in_dim3A_20 : vector<1000x1xf32>
    %neg3A_34 = arith.constant 0.000000e+00 : f32
    %neg3A_35 = vector.broadcast %neg3A_34 : f32 to vector<1000x1xf32>
    %neg3A_36 = arith.subf %neg3A_35, %abs3A_33 : vector<1000x1xf32>
    %exp3A_37 = math.exp %neg3A_36 : vector<1000x1xf32>
    %log1p3A_38 = math.log1p %exp3A_37 : vector<1000x1xf32>
    %add3A_39 = arith.addf %max3A_32, %log1p3A_38 : vector<1000x1xf32>
    %swap3A_40 = arith.constant 0 : index
    %swap3A_41 = arith.constant 0 : index
    %swap3A_42 = vector.load %arg6[%swap3A_40, %swap3A_41] : memref<1000x1xf32, #tpu.memory_space<vmem>>, vector<1000x1xf32>
    tpu.vector_store %arg6[%swap3A_40, %swap3A_41], %add3A_39 {strides = array<i32>} : memref<1000x1xf32, #tpu.memory_space<vmem>>, vector<1000x1xf32>,
    return
  }
  func.func @transform_0(%arg0: i32) -> (i32, i32) {
    %c0_i32 = arith.constant 0 : i32
    %c0_i32_0 = arith.constant 0 : i32
    return %arg0, %c0_i32 : i32, i32
  }
  func.func @transform_1(%arg0: i32) -> (i32, i32) {
    %c0_i32 = arith.constant 0 : i32
    %c0_i32_0 = arith.constant 0 : i32
    return %arg0, %c0_i32 : i32, i32
  }
  func.func @transform_2(%arg0: i32) -> (i32, i32) {
    %c0_i32 = arith.constant 0 : i32
    %c0_i32_0 = arith.constant 0 : i32
    %c0_i32_1 = arith.constant 0 : i32
    return %c0_i32, %c0_i32_0 : i32, i32
  }
  func.func @transform_3(%arg0: i32) -> (i32, i32) {
    %c0_i32 = arith.constant 0 : i32
    %c0_i32_0 = arith.constant 0 : i32
    return %arg0, %c0_i32 : i32, i32
  }
  func.func @transform_4(%arg0: i32) -> (i32, i32) {
    %c0_i32 = arith.constant 0 : i32
    %c0_i32_0 = arith.constant 0 : i32
    return %arg0, %c0_i32 : i32, i32
  }
  func.func @transform_5(%arg0: i32) -> (i32, i32) {
    %c0_i32 = arith.constant 0 : i32
    %c0_i32_0 = arith.constant 0 : i32
    return %arg0, %c0_i32 : i32, i32
  }
}

</mosaic_0001>

<sc_bundles>
// kernel: kernel.12.cloned.1.call-start
scs
__scs_entry_jumppad:
0x0: {  	(pc) =	sbr.rel $0x88, $3  }
0x1: {  	(tag) =	ssettag $0x0;
	lr =	simm.s32 $0x1  }
0x2: {  	[smem:$0x3F99] =	sst lr;
	_ =	strace $0xD0000000  }
0x3: {  	_ = 	snop  }
0x4: {  	_ = 	snop  }
0x5: {  	_ = 	snop  }
0x6: {  	_ = 	snop  }
0x7: {  	_ = 	snop  }
__scs_overlays_trampoline_lowered:
0x8: {  	[smem:$0x3FA8] =	sst s0  }
0x9: {  	[smem:$0x3FA9] =	sst s1  }
0xa: {  	[smem:$0x3FAA] =	sst s2  }
0xb: {  	[smem:$0x3FAB] =	sst s3  }
0xc: {  	[smem:$0x3FAC] =	sst s4  }
0xd: {  	[smem:$0x3FAD] =	sst s5  }
0xe: {  	[smem:$0x3FAE] =	sst s6  }
0xf: {  	[smem:$0x3FAF] =	sst s7  }
0x10: {  	[smem:$0x3FB0] =	sst s8  }
0x11: {  	[smem:$0x3FB1] =	sst s9;
	s0 =	simm.s32 @!p0 $0x0  }
0x12: {  	s1 =	sld [smem:$0x3F97];
	s0 =	simm.s32 @p0 $0x1  }
0x13: {  	[smem:$0x3FB2] =	sst s0;
	s0 =	simm.s32 @!p1 $0x0  }
0x14: {  	s2 =	sld [smem:$0x3F96];
	s0 =	simm.s32 @p1 $0x1  }
0x15: {  	[smem:$0x3FB3] =	sst s0;
	s0 =	simm.s32 @!p2 $0x0  }
0x16: {  	s3 =	sld [smem:$0x3FDB];
	s0 =	simm.s32 @p2 $0x1  }
0x17: {  	s4 =	simm.s32 $0x1BF5;
	[smem:$0x3FB5] =	sst s0  }
0x18: {  	s0 =	sld [smem:$0x3F98];
	_ =	swait.ge [sflag:s4], $0x0  }
0x19: {  	s7 =	sld [smem:$0x3F99]  }
0x1a: {  	s8 =	sadd.s32 $0xFFFFE003, lr  }
0x1b: {  	s9 =	sadd.s32 $0xFFFFFEF7, lr;
	s5 =	simm.s32 $0xFFFFFFFF;
	p2 =	slt.u32 s8, $0xFFFFF086  }
0x1c: {  	p1 =	slt.u32 s9, $0xF7A;
	s5 =	simm.s32 @!p2 $0x0  }
0x1d: {  	s5 =	simm.s32 @p1 $0x1;
	p0 =	seq.s32 s7, s2  }
0x1e: {  	s7 =	smul.u32 @!p0 $0xF7A, s2;
	p2 =	seq.s32 @!p0 s5, $0x0  }
0x1f: {  	s9 =	smul.u32 $0xF7A, s1;
	s8 =	simm.s32 @!p0 $0x1BF5;
	p2 =	por !p2, p0  }
0x20: {  	[sflag:s8] =	ssyncset.s32 @!p0 $0xFFFFF086;
	s6 =	sadd.s32 @!p0 s3, s7;
	s7 =	simm.s32 @!p0 $0x108  }
0x21: {  	s3 =	sadd.s32 s3, s9;
	s6 =	sadd.s32 @!p0 $0x88, s6;
	s7 =	simm.s32 @p2 $0x1082  }
0x22: {  	[simem:s7], [sflag:s8] =	dma.local @!p0 [hbm:s6], $0xF7A  }
0x23: {  	s9 =	sor.u32 $0xD0000000, s2;
	s6 =	simm.s32 $0x108;
	_ =	swait.ge @!p0 [sflag:s8], $0x0  }
0x24: {  	s3 =	sadd.s32 $0x88, s3;
	s6 =	simm.s32 @!p1 $0x1082;
	[sflag:s4] =	ssyncset.s32 $0xFFFFF086  }
0x25: {  	[simem:s6], [sflag:s4] =	dma.local [hbm:s3], $0xF7A  }
0x26: {  	[smem:$0x3F99] =	sst s1;
	(tag) =	ssettag s2;
	_ =	strace s9  }
0x27: {  	s1 =	sld [smem:$0x3FA9]  }
0x28: {  	s2 =	sld [smem:$0x3FAA]  }
0x29: {  	s4 =	sld [smem:$0x3FAC]  }
0x2a: {  	p0 =	seq.s32 s5, $0x0;
	s5 =	sld [smem:$0x3FAD]  }
0x2b: {  	s6 =	sld [smem:$0x3FAE]  }
0x2c: {  	s7 =	sld [smem:$0x3FAF]  }
0x2d: {  	s3 =	simm.s32 $0x108;
	s8 =	sld [smem:$0x3FB0]  }
0x2e: {  	s3 =	simm.s32 @!p0 $0x1082;
	s9 =	sld [smem:$0x3FB1]  }
0x2f: {  	lr =	sadd.s32 s0, s3;
	s0 =	sld [smem:$0x3FA8]  }
0x30: {  	s3 =	sld [smem:$0x3FAB]  }
0x31: {  	[smem:$0x3FB4] =	sst s10  }
0x32: {  	s10 =	sld [smem:$0x3FB2];
	_ =	sdelay $0x3  }
0x33: {  	p0 =	seq.s32 s10, $0x1;
	s10 =	sld [smem:$0x3FB4];
	_ =	sdelay $0x3  }
0x34: {  	[smem:$0x3FB4] =	sst s10  }
0x35: {  	s10 =	sld [smem:$0x3FB3];
	_ =	sdelay $0x3  }
0x36: {  	p1 =	seq.s32 s10, $0x1;
	s10 =	sld [smem:$0x3FB4];
	_ =	sdelay $0x3  }
0x37: {  	[smem:$0x3FB4] =	sst s10  }
0x38: {  	s10 =	sld [smem:$0x3FB5]  }
0x39: {  	_ = 	snop;
	(pc) =	sbr.ind lr, $3  }
0x3a: {  	_ = 	snop  }
0x3b: {  	_ = 	snop  }
0x3c: {  	p2 =	seq.s32 s10, $0x1;
	s10 =	sld [smem:$0x3FB4]  }
0x3d: {  	_ =	shalt  }
0x3e: {  	_ =	shalt  }
0x3f: {  	_ =	shalt  }
0x40: {  	_ =	shalt  }
0x41: {  	_ =	shalt  }
0x42: {  	_ =	shalt  }
0x43: {  	_ =	shalt  }
0x44: {  	_ =	shalt  }
0x45: {  	_ =	shalt  }
0x46: {  	_ =	shalt  }
0x47: {  	_ =	shalt  }
0x48: {  	_ =	shalt  }
0x49: {  	_ =	shalt  }
0x4a: {  	_ =	shalt  }
0x4b: {  	_ =	shalt  }
0x4c: {  	_ =	shalt  }
0x4d: {  	_ =	shalt  }
0x4e: {  	_ =	shalt  }
0x4f: {  	_ =	shalt  }
0x50: {  	_ =	shalt  }
0x51: {  	_ =	shalt  }
0x52: {  	_ =	shalt  }
0x53: {  	_ =	shalt  }
0x54: {  	_ =	shalt  }
0x55: {  	_ =	shalt  }
0x56: {  	_ =	shalt  }
0x57: {  	_ =	shalt  }
0x58: {  	_ =	shalt  }
0x59: {  	_ =	shalt  }
0x5a: {  	_ =	shalt  }
0x5b: {  	_ =	shalt  }
0x5c: {  	_ =	shalt  }
0x5d: {  	_ =	shalt  }
0x5e: {  	_ =	shalt  }
0x5f: {  	_ =	shalt  }
0x60: {  	_ =	shalt  }
0x61: {  	_ =	shalt  }
0x62: {  	_ =	shalt  }
0x63: {  	_ =	shalt  }
0x64: {  	_ =	shalt  }
0x65: {  	_ =	shalt  }
0x66: {  	_ =	shalt  }
0x67: {  	_ =	shalt  }
0x68: {  	_ =	shalt  }
0x69: {  	_ =	shalt  }
0x6a: {  	_ =	shalt  }
0x6b: {  	_ =	shalt  }
0x6c: {  	_ =	shalt  }
0x6d: {  	_ =	shalt  }
0x6e: {  	_ =	shalt  }
0x6f: {  	_ =	shalt  }
0x70: {  	_ =	shalt  }
0x71: {  	_ =	shalt  }
0x72: {  	_ =	shalt  }
0x73: {  	_ =	shalt  }
0x74: {  	_ =	shalt  }
0x75: {  	_ =	shalt  }
0x76: {  	_ =	shalt  }
0x77: {  	_ =	shalt  }
0x78: {  	_ =	shalt  }
0x79: {  	_ =	shalt  }
0x7a: {  	_ =	shalt  }
0x7b: {  	_ =	shalt  }
0x7c: {  	_ =	shalt  }
0x7d: {  	_ =	shalt  }
0x7e: {  	_ =	shalt  }
0x7f: {  	_ =	shalt  }
0x80: {  	_ =	shalt  }
0x81: {  	_ =	shalt  }
0x82: {  	_ =	shalt  }
0x83: {  	_ =	shalt  }
0x84: {  	_ =	shalt  }
0x85: {  	_ =	shalt  }
0x86: {  	_ =	shalt  }
0x87: {  	_ =	shalt  }
.Lfunc_end0:
.L_simem_size_0:
called_computation.1_lowered:
.L_overlay_start_0:
0x88: {  	s2 =	sld [smem:$0x3FD9]  }
0x89: {  	s3 =	sld [smem:$0x3FFE];
	_ =	sdelay $0x1  }
0x8a: {  	s1 =	srdreg.scid  }
0x8b: {  	s0 =	sand.u32 $0x1, s1  }
0x8c: {  	s17 =	sshll.u32 s0, $0xA;
	s2 =	sadd.s32 s3, s2  }
0x8d: {  	s2 =	sadd.s32 s2, s17  }
0x8e: {  	[smem:$0x3FC0] =	sst s2  }
0x8f: {  	_ = 	snop  }
0x90: {  	s18 =	sld [smem:$0x3FC4];
	(tm) =	ssettm $0x1  }
0x91: {  	s19 =	sld [smem:$0x3FFB];
	_ =	sdelay $0x3  }
0x92: {  	_ =	strace s19  }
0x93: {  	s2 =	sld [smem:$0x3FFC];
	_ =	sdelay $0x3  }
0x94: {  	_ =	strace s2  }
0x95: {  	s2 =	sld [smem:$0x3FFD];
	_ =	sdelay $0x3  }
0x96: {  	_ =	strace s2  }
0x97: {  	_ =	strace $0x8FFFFFFF  }
0x98: {  	s20 =	sld [smem:$0x3FDB];
	_ =	sdelay $0x1  }
0x99: {  	s4 =	simm.s32 $_scs_section_size  }
0x9a: {  	s5 =	simm.s32 $_size__tile_overlayer_lowered;
	s6 =	simm.s32 $_tile_overlayer_lowered  }
0x9b: {  	s7 =	simm.s32 $0x1BFF;
	s21 =	sshll.u32 s6, $0x1;
	s4 =	sadd.s32 s4, s20  }
0x9c: {  	s22 =	simm.s32 $0x0;
	s5 =	sshll.u32 s5, $0x1;
	s6 =	sadd.s32 s21, s4  }
0x9d: {  	[timem:s22], [sflag:s7] =	dma.local [hbm:s6], s5  }
0x9e: {  	_ =	swait.ge [sflag:s7], s5  }
0x9f: {  	s5 =	ssub.s32 $0x0, s5;
	[sflag:s7] =	ssyncset.done $0x0  }
0xa0: {  	[sflag:s7] =	ssyncadd.s32 s5;
	_ =	sdelay $0x1  }
0xa1: {  	s23 =	simm.s32 $0x1B8B  }
0xa2: {  	_ =	swait.ge [sflag:s23], $0x1  }
0xa3: {  	[sflag:s23] =	ssyncset.done $0x0  }
0xa4: {  	[sflag:s23] =	ssyncadd.s32 $0xFFFFFFFF  }
0xa5: {  	s5 =	sld [smem:$0x0]  }
0xa6: {  	s6 =	sand.u32 $0xFFFFFFFE, s1  }
0xa7: {  	p0 =	sne.s32 s1, s6  }
0xa8: {  	s6 =	sshll.u32 @p0 s6, $0xE  }
0xa9: {  	s6 =	sadd.s32 @p0 $0x11B8D, s6;
	s7 =	sshll.u32 @p0 s5, $0x11  }
0xaa: {  	s6 =	sor.u32 @p0 s7, s6  }
0xab: {  	[sflag:s6] =	ssyncadd.remote.s32 @p0 $0x1;
	_ =	sdelay $0x1  }
0xac: {  	s6 =	simm.s32 @p0 $0x1B8D  }
0xad: {  	_ =	swait.eq @p0 [sflag:s6], $0x1  }
0xae: {  	[sflag:s6] =	ssyncadd.s32 @p0 $0xFFFFFFFF  }
0xaf: {  	s7 =	sshll.u32 @!p0 s1, $0xE  }
0xb0: {  	s7 =	sor.u32 @!p0 $0x4000, s7;
	s6 =	simm.s32 @!p0 $0x1B8D  }
0xb1: {  	s5 =	sshll.u32 @!p0 s5, $0x11;
	s7 =	sadd.s32 @!p0 $0x11B8D, s7;
	_ =	swait.eq @!p0 [sflag:s6], $0x1  }
0xb2: {  	s5 =	sor.u32 @!p0 s5, s7;
	[sflag:s6] =	ssyncadd.s32 @!p0 $0xFFFFFFFF  }
0xb3: {  	s25 =	simm.s32 $0x1B8E;
	s24 =	sld [smem:$0x3FFE];
	[sflag:s5] =	ssyncadd.remote.s32 @!p0 $0x1  }
0xb4: {  	s26 =	simm.s32 $execute0_lowered;
	[smem:$0x3FD2] =	sst s25  }
0xb5: {  	s6 =	sshll.u32 s26, $0x1;
	_ =	strace $0x80000049;
	[dreg:$0x1] =	wrdreg $0xFFFFFFFF  }
0xb6: {  	s28 =	simm.s32 $_size_execute0_lowered;
	s4 =	sadd.s32 s4, s6;
	[dreg:$0x0] =	wrdreg $0x0  }
0xb7: {  	s6 =	sshll.u32 s28, $0x1;
	[dreg:$0x2] =	wrdreg s4  }
0xb8: {  	[dreg:$0x3] =	wrdreg s6  }
0xb9: {  	[dreg:$0x4] =	wrdreg $0xC0  }
0xba: {  	_ =	task [dreg:s22], $0x5FFFF  }
0xbb: {  	[dreg:$0x1] =	wrdreg $0xFFFFFFFF  }
0xbc: {  	[dreg:$0x0] =	wrdreg $0x60  }
0xbd: {  	[dreg:$0x2] =	wrdreg s24  }
0xbe: {  	[dreg:$0x3] =	wrdreg s18  }
0xbf: {  	[dreg:$0x4] =	wrdreg $0xA  }
0xc0: {  	_ =	task.clear_ibuf [dreg:s22], $0x5FFFF;
	_ =	strace $0x90000049  }
0xc1: {  	s29 =	simm.s32 $0xA;
	_ =	strace $0x8000004B  }
0xc2: {  	_ =	swait.ge [sflag:s29], $0x1  }
0xc3: {  	[sflag:s29] =	ssyncadd.s32 $0xFFFFFFFF  }
0xc4: {  	_ =	strace $0x9000004B  }
0xc5: {  	_ =	sfence  }
0xc6: {  	s30 =	sld [smem:$0x0];
	_ =	sdelay $0x2  }
0xc7: {  	s31 =	sshll.u32 s1, $0xD;
	s1 =	sshrl.u32 s1, $0x2  }
0xc8: {  	s4 =	sand.u32 $0x4000, s31;
	s1 =	sadd.s32 s1, s30  }
0xc9: {  	s0 =	sor.u32 s4, s0;
	s1 =	sshll.u32 s1, $0x11  }
0xca: {  	s0 =	sor.u32 s1, s0  }
0xcb: {  	s0 =	sadd.s32 $0x8F2B, s0  }
0xcc: {  	[sflag:s0] =	ssyncadd.remote.s32 $0x1  }
0xcd: {  	_ =	sfence.sel $0xFFFF  }
0xce: {  	[dreg:$0x0] =	wrdreg $0xFFFFFFFF;
	(pc) =	sbr.abs _section_cstart, $3  }
0xcf: {  	[dreg:$0x1] =	wrdreg $0xFFFFFFFF  }
0xd0: {  	_ =	task.clear_ibuf [dreg:s22], $0x2FFFF;
	_ =	strace $0x9FFFFFFF  }
0xd1: {  	(tm) =	ssettm $0x7FFFFFFF  }
tec
execute0_lowered:
.L_overlay_start_1:
0x0: {  	(tag) =	ssettag $0x1  }
0x1: {  	s0 =	srdreg.scid;
	s2 =	rddreg [dreg:$0x0]  }
0x2: {  	s3 =	rddreg [dreg:$0x1];
	s0 =	sand.u32 $0x1, s0  }
0x3: {  	s1 =	stileid.u32;
	s4 =	simm.s32 $0x0;
	p0 =	seq.s32 s0, $0x1  }
0x4: {  	[smem:$0x7FF] =	sst s4;
	s5 =	smul.u32 @!p0 $0x4E, s1  }
0x5: {  	s0 =	rddreg [dreg:$0x2]  }
0x6: {  	_ =	strace $0x8000004A;
	s4 =	simm.s32 @!p0 $0x0;
	s3 =	sadd.s32 @!p0 s3, s5  }
0x7: {  	[tilespmem:s4], [sflag:$0x2] =	stream.linear.gather @!p0 [hbm4b:s3+s4], $0x280, $0x38;
	[tilespmem:$0x4280] =	vst v63  }
0x8: {  	s3 =	simm.s32 @!p0 $0x2  }
0x9: {  	s6 =	simm.s32 @!p0 $0x80;
	_ =	swait.ge @!p0 [sflag:s3], $0x280  }
0xa: {  	s7 =	simm.s32 @!p0 $0x280;
	s8 =	smul.u32 @!p0 $0x13800, s1;
	[sflag:s3] =	ssyncset.done @!p0 $0x0  }
0xb: {  	s9 =	simm.s32 @!p0 $0x1;
	s5 =	sadd.s32 $0x84600, s2;
	[sflag:s3] =	ssyncadd.s32 @!p0 $0xFFFFFD80  }
0xc: {  	[tilespmem:s7], [sflag:$0x1] =	stream.indirect.gather @!p0 [hbm4b:s5+s6], $0x80, s4, s6, $0xb8;
	[tilespmem:$0x4280] =	vst v63  }
0xd: {  	_ =	swait.ge @!p0 [sflag:s9], $0x4000  }
0xe: {  	s2 =	sadd.s32 $0xAB800, s2;
	s8 =	sshrl.u32 @!p0 s8, $0x3;
	[sflag:s9] =	ssyncset.done @!p0 $0x0  }
0xf: {  	s2 =	sadd.s32 @!p0 s2, s8;
	[sflag:s9] =	ssyncadd.s32 @!p0 $0xFFFFC000  }
0x10: {  	[hbm4b:s2+s4] =	stream.linear.scatter @!p0 [tilespmem:s7], [sflag:$0x2], $0x4000, $0x38;
	[tilespmem:$0x4280] =	vst v63  }
0x11: {  	_ =	swait.ge @!p0 [sflag:s3], $0x4000  }
0x12: {  	[sflag:s3] =	ssyncset.done @!p0 $0x0  }
0x13: {  	[sflag:s3] =	ssyncadd.s32 @!p0 $0xFFFFC000  }
0x14: {  	[tilespmem:s7], [sflag:$0x1] =	stream.indirect.gather @!p0 [hbm4b:s5+s6], $0x80, s6, s6, $0xb8;
	[tilespmem:$0x4280] =	vst v63  }
0x15: {  	_ =	swait.ge @!p0 [sflag:s9], $0x4000  }
0x16: {  	[sflag:s9] =	ssyncset.done @!p0 $0x0  }
0x17: {  	s8 =	sadd.s32 @!p0 $0x800, s2;
	[sflag:s9] =	ssyncadd.s32 @!p0 $0xFFFFC000  }
0x18: {  	[hbm4b:s8+s4] =	stream.linear.scatter @!p0 [tilespmem:s7], [sflag:$0x2], $0x4000, $0x38;
	[tilespmem:$0x4280] =	vst v63  }
0x19: {  	_ =	swait.ge @!p0 [sflag:s3], $0x4000  }
0x1a: {  	[sflag:s3] =	ssyncset.done @!p0 $0x0  }
0x1b: {  	s8 =	simm.s32 @!p0 $0x100;
	[sflag:s3] =	ssyncadd.s32 @!p0 $0xFFFFC000  }
0x1c: {  	[tilespmem:s7], [sflag:$0x1] =	stream.indirect.gather @!p0 [hbm4b:s5+s6], $0x80, s8, s6, $0xb8;
	[tilespmem:$0x4280] =	vst v63  }
0x1d: {  	_ =	swait.ge @!p0 [sflag:s9], $0x4000  }
0x1e: {  	[sflag:s9] =	ssyncset.done @!p0 $0x0  }
0x1f: {  	s8 =	sadd.s32 @!p0 $0x1000, s2;
	[sflag:s9] =	ssyncadd.s32 @!p0 $0xFFFFC000  }
0x20: {  	[hbm4b:s8+s4] =	stream.linear.scatter @!p0 [tilespmem:s7], [sflag:$0x2], $0x4000, $0x38;
	[tilespmem:$0x4280] =	vst v63  }
0x21: {  	_ =	swait.ge @!p0 [sflag:s3], $0x4000  }
0x22: {  	[sflag:s3] =	ssyncset.done @!p0 $0x0  }
0x23: {  	s8 =	simm.s32 @!p0 $0x180;
	[sflag:s3] =	ssyncadd.s32 @!p0 $0xFFFFC000  }
0x24: {  	[tilespmem:s7], [sflag:$0x1] =	stream.indirect.gather @!p0 [hbm4b:s5+s6], $0x80, s8, s6, $0xb8;
	[tilespmem:$0x4280] =	vst v63  }
0x25: {  	_ =	swait.ge @!p0 [sflag:s9], $0x4000  }
0x26: {  	[sflag:s9] =	ssyncset.done @!p0 $0x0  }
0x27: {  	s8 =	sadd.s32 @!p0 $0x1800, s2;
	[sflag:s9] =	ssyncadd.s32 @!p0 $0xFFFFC000  }
0x28: {  	[hbm4b:s8+s4] =	stream.linear.scatter @!p0 [tilespmem:s7], [sflag:$0x2], $0x4000, $0x38;
	[tilespmem:$0x4280] =	vst v63  }
0x29: {  	_ =	swait.ge @!p0 [sflag:s3], $0x4000  }
0x2a: {  	[sflag:s3] =	ssyncset.done @!p0 $0x0  }
0x2b: {  	s8 =	simm.s32 @!p0 $0x200;
	[sflag:s3] =	ssyncadd.s32 @!p0 $0xFFFFC000  }
0x2c: {  	[tilespmem:s7], [sflag:$0x1] =	stream.indirect.gather @!p0 [hbm4b:s5+s6], $0x80, s8, s6, $0xb8;
	[tilespmem:$0x4280] =	vst v63  }
0x2d: {  	_ =	swait.ge @!p0 [sflag:s9], $0x4000  }
0x2e: {  	[sflag:s9] =	ssyncset.done @!p0 $0x0  }
0x2f: {  	s2 =	sadd.s32 @!p0 $0x2000, s2;
	[sflag:s9] =	ssyncadd.s32 @!p0 $0xFFFFC000  }
0x30: {  	[hbm4b:s2+s4] =	stream.linear.scatter @!p0 [tilespmem:s7], [sflag:$0x2], $0x4000, $0x38;
	[tilespmem:$0x4280] =	vst v63  }
0x31: {  	_ =	swait.ge @!p0 [sflag:s3], $0x4000  }
0x32: {  	[sflag:s3] =	ssyncset.done @!p0 $0x0  }
0x33: {  	[sflag:s3] =	ssyncadd.s32 @!p0 $0xFFFFC000  }
0x34: {  	_ =	sfence.sel $0x180000  }
0x35: {  	[bflag:$0x0] =	sbarrier.arrive $0xFFFF  }
0x36: {  	p0 =	sne.s32 s1, $0x0;
	_ =	strace $0x9000004A  }
0x37: {  	s0 =	sadd.s32 @!p0 $0x100000, s0;
	[bflag:$0x2] =	sbarrier.arrive $0xFFFF  }
0x38: {  	[sflag:s0] =	ssyncadd.tile.s32 @!p0 $0x1;
	_ =	shalt  }
.Lfunc_end2:
_tile_overlayer_lowered:
.L_overlay_start_2:
0x39: {  	(tag) =	ssettag $0x2  }
0x3a: {  	s0 =	rddreg [dreg:$0x0];
	s2 =	stileid.u32  }
0x3b: {  	s1 =	rddreg [dreg:$0x1];
	p0 =	sne.s32 s2, $0x0  }
0x3c: {  	s3 =	rddreg [dreg:$0x2];
	[bflag:$0x3] =	sbarrier.arrive $0xFFFF;
	s2 =	simm.s32 @!p0 $0x1C02  }
0x3d: {  	[timem:s3], [sflag:s2] =	dma.local @!p0 [hbm:s0], s1  }
0x3e: {  	s0 =	simm.s32 @!p0 $0x2  }
0x3f: {  	_ =	swait.ge @!p0 [sflag:s0], s1  }
0x40: {  	s1 =	ssub.s32 @!p0 $0x0, s1;
	[sflag:s0] =	ssyncset.done @!p0 $0x0  }
0x41: {  	[sflag:s0] =	ssyncadd.s32 @!p0 s1  }
0x42: {  	[bflag:$0x3] =	sbarrier.arrive $0xFFFF  }
0x43: {  	_ =	shalt  }

// kernel: kernel.15.cloned.1.call-start
scs
__scs_entry_jumppad:
0x0: {  	(pc) =	sbr.rel $0x88, $3  }
0x1: {  	(tag) =	ssettag $0x0;
	lr =	simm.s32 $0x1  }
0x2: {  	[smem:$0x3F99] =	sst lr;
	_ =	strace $0xD0000000  }
0x3: {  	_ = 	snop  }
0x4: {  	_ = 	snop  }
0x5: {  	_ = 	snop  }
0x6: {  	_ = 	snop  }
0x7: {  	_ = 	snop  }
__scs_overlays_trampoline_lowered:
0x8: {  	[smem:$0x3FA8] =	sst s0  }
0x9: {  	[smem:$0x3FA9] =	sst s1  }
0xa: {  	[smem:$0x3FAA] =	sst s2  }
0xb: {  	[smem:$0x3FAB] =	sst s3  }
0xc: {  	[smem:$0x3FAC] =	sst s4  }
0xd: {  	[smem:$0x3FAD] =	sst s5  }
0xe: {  	[smem:$0x3FAE] =	sst s6  }
0xf: {  	[smem:$0x3FAF] =	sst s7  }
0x10: {  	[smem:$0x3FB0] =	sst s8  }
0x11: {  	[smem:$0x3FB1] =	sst s9;
	s0 =	simm.s32 @!p0 $0x0  }
0x12: {  	s1 =	sld [smem:$0x3F97];
	s0 =	simm.s32 @p0 $0x1  }
0x13: {  	[smem:$0x3FB2] =	sst s0;
	s0 =	simm.s32 @!p1 $0x0  }
0x14: {  	s2 =	sld [smem:$0x3F96];
	s0 =	simm.s32 @p1 $0x1  }
0x15: {  	[smem:$0x3FB3] =	sst s0;
	s0 =	simm.s32 @!p2 $0x0  }
0x16: {  	s3 =	sld [smem:$0x3FDB];
	s0 =	simm.s32 @p2 $0x1  }
0x17: {  	s4 =	simm.s32 $0x1BF5;
	[smem:$0x3FB5] =	sst s0  }
0x18: {  	s0 =	sld [smem:$0x3F98];
	_ =	swait.ge [sflag:s4], $0x0  }
0x19: {  	s7 =	sld [smem:$0x3F99]  }
0x1a: {  	s8 =	sadd.s32 $0xFFFFE003, lr  }
0x1b: {  	s9 =	sadd.s32 $0xFFFFFEF7, lr;
	s5 =	simm.s32 $0xFFFFFFFF;
	p2 =	slt.u32 s8, $0xFFFFF086  }
0x1c: {  	p1 =	slt.u32 s9, $0xF7A;
	s5 =	simm.s32 @!p2 $0x0  }
0x1d: {  	s5 =	simm.s32 @p1 $0x1;
	p0 =	seq.s32 s7, s2  }
0x1e: {  	s7 =	smul.u32 @!p0 $0xF7A, s2;
	p2 =	seq.s32 @!p0 s5, $0x0  }
0x1f: {  	s9 =	smul.u32 $0xF7A, s1;
	s8 =	simm.s32 @!p0 $0x1BF5;
	p2 =	por !p2, p0  }
0x20: {  	[sflag:s8] =	ssyncset.s32 @!p0 $0xFFFFF086;
	s6 =	sadd.s32 @!p0 s3, s7;
	s7 =	simm.s32 @!p0 $0x108  }
0x21: {  	s3 =	sadd.s32 s3, s9;
	s6 =	sadd.s32 @!p0 $0x88, s6;
	s7 =	simm.s32 @p2 $0x1082  }
0x22: {  	[simem:s7], [sflag:s8] =	dma.local @!p0 [hbm:s6], $0xF7A  }
0x23: {  	s9 =	sor.u32 $0xD0000000, s2;
	s6 =	simm.s32 $0x108;
	_ =	swait.ge @!p0 [sflag:s8], $0x0  }
0x24: {  	s3 =	sadd.s32 $0x88, s3;
	s6 =	simm.s32 @!p1 $0x1082;
	[sflag:s4] =	ssyncset.s32 $0xFFFFF086  }
0x25: {  	[simem:s6], [sflag:s4] =	dma.local [hbm:s3], $0xF7A  }
0x26: {  	[smem:$0x3F99] =	sst s1;
	(tag) =	ssettag s2;
	_ =	strace s9  }
0x27: {  	s1 =	sld [smem:$0x3FA9]  }
0x28: {  	s2 =	sld [smem:$0x3FAA]  }
0x29: {  	s4 =	sld [smem:$0x3FAC]  }
0x2a: {  	p0 =	seq.s32 s5, $0x0;
	s5 =	sld [smem:$0x3FAD]  }
0x2b: {  	s6 =	sld [smem:$0x3FAE]  }
0x2c: {  	s7 =	sld [smem:$0x3FAF]  }
0x2d: {  	s3 =	simm.s32 $0x108;
	s8 =	sld [smem:$0x3FB0]  }
0x2e: {  	s3 =	simm.s32 @!p0 $0x1082;
	s9 =	sld [smem:$0x3FB1]  }
0x2f: {  	lr =	sadd.s32 s0, s3;
	s0 =	sld [smem:$0x3FA8]  }
0x30: {  	s3 =	sld [smem:$0x3FAB]  }
0x31: {  	[smem:$0x3FB4] =	sst s10  }
0x32: {  	s10 =	sld [smem:$0x3FB2];
	_ =	sdelay $0x3  }
0x33: {  	p0 =	seq.s32 s10, $0x1;
	s10 =	sld [smem:$0x3FB4];
	_ =	sdelay $0x3  }
0x34: {  	[smem:$0x3FB4] =	sst s10  }
0x35: {  	s10 =	sld [smem:$0x3FB3];
	_ =	sdelay $0x3  }
0x36: {  	p1 =	seq.s32 s10, $0x1;
	s10 =	sld [smem:$0x3FB4];
	_ =	sdelay $0x3  }
0x37: {  	[smem:$0x3FB4] =	sst s10  }
0x38: {  	s10 =	sld [smem:$0x3FB5]  }
0x39: {  	_ = 	snop;
	(pc) =	sbr.ind lr, $3  }
0x3a: {  	_ = 	snop  }
0x3b: {  	_ = 	snop  }
0x3c: {  	p2 =	seq.s32 s10, $0x1;
	s10 =	sld [smem:$0x3FB4]  }
0x3d: {  	_ =	shalt  }
0x3e: {  	_ =	shalt  }
0x3f: {  	_ =	shalt  }
0x40: {  	_ =	shalt  }
0x41: {  	_ =	shalt  }
0x42: {  	_ =	shalt  }
0x43: {  	_ =	shalt  }
0x44: {  	_ =	shalt  }
0x45: {  	_ =	shalt  }
0x46: {  	_ =	shalt  }
0x47: {  	_ =	shalt  }
0x48: {  	_ =	shalt  }
0x49: {  	_ =	shalt  }
0x4a: {  	_ =	shalt  }
0x4b: {  	_ =	shalt  }
0x4c: {  	_ =	shalt  }
0x4d: {  	_ =	shalt  }
0x4e: {  	_ =	shalt  }
0x4f: {  	_ =	shalt  }
0x50: {  	_ =	shalt  }
0x51: {  	_ =	shalt  }
0x52: {  	_ =	shalt  }
0x53: {  	_ =	shalt  }
0x54: {  	_ =	shalt  }
0x55: {  	_ =	shalt  }
0x56: {  	_ =	shalt  }
0x57: {  	_ =	shalt  }
0x58: {  	_ =	shalt  }
0x59: {  	_ =	shalt  }
0x5a: {  	_ =	shalt  }
0x5b: {  	_ =	shalt  }
0x5c: {  	_ =	shalt  }
0x5d: {  	_ =	shalt  }
0x5e: {  	_ =	shalt  }
0x5f: {  	_ =	shalt  }
0x60: {  	_ =	shalt  }
0x61: {  	_ =	shalt  }
0x62: {  	_ =	shalt  }
0x63: {  	_ =	shalt  }
0x64: {  	_ =	shalt  }
0x65: {  	_ =	shalt  }
0x66: {  	_ =	shalt  }
0x67: {  	_ =	shalt  }
0x68: {  	_ =	shalt  }
0x69: {  	_ =	shalt  }
0x6a: {  	_ =	shalt  }
0x6b: {  	_ =	shalt  }
0x6c: {  	_ =	shalt  }
0x6d: {  	_ =	shalt  }
0x6e: {  	_ =	shalt  }
0x6f: {  	_ =	shalt  }
0x70: {  	_ =	shalt  }
0x71: {  	_ =	shalt  }
0x72: {  	_ =	shalt  }
0x73: {  	_ =	shalt  }
0x74: {  	_ =	shalt  }
0x75: {  	_ =	shalt  }
0x76: {  	_ =	shalt  }
0x77: {  	_ =	shalt  }
0x78: {  	_ =	shalt  }
0x79: {  	_ =	shalt  }
0x7a: {  	_ =	shalt  }
0x7b: {  	_ =	shalt  }
0x7c: {  	_ =	shalt  }
0x7d: {  	_ =	shalt  }
0x7e: {  	_ =	shalt  }
0x7f: {  	_ =	shalt  }
0x80: {  	_ =	shalt  }
0x81: {  	_ =	shalt  }
0x82: {  	_ =	shalt  }
0x83: {  	_ =	shalt  }
0x84: {  	_ =	shalt  }
0x85: {  	_ =	shalt  }
0x86: {  	_ =	shalt  }
0x87: {  	_ =	shalt  }
.Lfunc_end0:
.L_simem_size_0:
called_computation.2_lowered:
.L_overlay_start_0:
0x88: {  	s2 =	sld [smem:$0x3FD9]  }
0x89: {  	s3 =	sld [smem:$0x3FFE];
	_ =	sdelay $0x1  }
0x8a: {  	s1 =	srdreg.scid  }
0x8b: {  	s0 =	sand.u32 $0x1, s1  }
0x8c: {  	s16 =	sshll.u32 s0, $0xA;
	s2 =	sadd.s32 s3, s2  }
0x8d: {  	s2 =	sadd.s32 s2, s16  }
0x8e: {  	[smem:$0x3FC0] =	sst s2  }
0x8f: {  	_ = 	snop  }
0x90: {  	(tm) =	ssettm $0x1  }
0x91: {  	s17 =	sld [smem:$0x3FFB];
	_ =	sdelay $0x3  }
0x92: {  	_ =	strace s17  }
0x93: {  	s2 =	sld [smem:$0x3FFC];
	_ =	sdelay $0x3  }
0x94: {  	_ =	strace s2  }
0x95: {  	s2 =	sld [smem:$0x3FFD];
	_ =	sdelay $0x3  }
0x96: {  	_ =	strace s2  }
0x97: {  	_ =	strace $0x8FFFFFFF  }
0x98: {  	s18 =	sld [smem:$0x3FDB];
	_ =	sdelay $0x1  }
0x99: {  	s19 =	simm.s32 $_scs_section_size  }
0x9a: {  	s4 =	simm.s32 $_size__tile_overlayer_lowered;
	s5 =	simm.s32 $_tile_overlayer_lowered  }
0x9b: {  	s22 =	simm.s32 $0x1BFF;
	s21 =	sshll.u32 s5, $0x1;
	s2 =	sadd.s32 s19, s18  }
0x9c: {  	s6 =	simm.s32 $0x0;
	s20 =	sshll.u32 s4, $0x1;
	s4 =	sadd.s32 s21, s2  }
0x9d: {  	[timem:s6], [sflag:s22] =	dma.local [hbm:s4], s20  }
0x9e: {  	_ =	swait.ge [sflag:s22], s20  }
0x9f: {  	s3 =	ssub.s32 $0x0, s20;
	[sflag:s22] =	ssyncset.done $0x0  }
0xa0: {  	[sflag:s22] =	ssyncadd.s32 s3;
	_ =	sdelay $0x1  }
0xa1: {  	s23 =	simm.s32 $0x1B8B  }
0xa2: {  	_ =	swait.ge [sflag:s23], $0x1  }
0xa3: {  	[sflag:s23] =	ssyncset.done $0x0  }
0xa4: {  	s25 =	simm.s32 $0x1B8E;
	s24 =	sld [smem:$0x3FFE];
	[sflag:s23] =	ssyncadd.s32 $0xFFFFFFFF  }
0xa5: {  	s26 =	simm.s32 $execute0_lowered;
	[smem:$0x3FD2] =	sst s25  }
0xa6: {  	s4 =	sshll.u32 s26, $0x1;
	_ =	strace $0x8000004C;
	[dreg:$0x1] =	wrdreg $0xFFFFFFFF  }
0xa7: {  	s28 =	simm.s32 $_size_execute0_lowered;
	s2 =	sadd.s32 s2, s4;
	[dreg:$0x0] =	wrdreg $0x0  }
0xa8: {  	s4 =	sshll.u32 s28, $0x1;
	[dreg:$0x2] =	wrdreg s2  }
0xa9: {  	[dreg:$0x3] =	wrdreg s4  }
0xaa: {  	[dreg:$0x4] =	wrdreg $0xC0  }
0xab: {  	_ =	task [dreg:s6], $0x5FFFF  }
0xac: {  	[dreg:$0x1] =	wrdreg $0xFFFFFFFF  }
0xad: {  	[dreg:$0x0] =	wrdreg $0x60  }
0xae: {  	[dreg:$0x2] =	wrdreg s24  }
0xaf: {  	[dreg:$0x3] =	wrdreg $0x82000  }
0xb0: {  	[dreg:$0x4] =	wrdreg $0x9  }
0xb1: {  	_ =	task.clear_ibuf [dreg:s6], $0x5FFFF;
	_ =	strace $0x9000004C  }
0xb2: {  	s29 =	simm.s32 $0x9;
	_ =	strace $0x8000004E  }
0xb3: {  	_ =	swait.ge [sflag:s29], $0x1  }
0xb4: {  	[sflag:s29] =	ssyncadd.s32 $0xFFFFFFFF  }
0xb5: {  	_ =	strace $0x9000004E  }
0xb6: {  	_ =	sfence  }
0xb7: {  	s30 =	sld [smem:$0x0];
	_ =	sdelay $0x2  }
0xb8: {  	s31 =	sshll.u32 s1, $0xD;
	s1 =	sshrl.u32 s1, $0x2  }
0xb9: {  	s3 =	sand.u32 $0x4000, s31;
	s1 =	sadd.s32 s1, s30  }
0xba: {  	s0 =	sor.u32 s3, s0;
	s1 =	sshll.u32 s1, $0x11  }
0xbb: {  	s0 =	sor.u32 s1, s0  }
0xbc: {  	s0 =	sadd.s32 $0x8F2B, s0  }
0xbd: {  	[sflag:s0] =	ssyncadd.remote.s32 $0x1  }
0xbe: {  	_ =	sfence.sel $0xFFFF  }
0xbf: {  	[dreg:$0x0] =	wrdreg $0xFFFFFFFF;
	(pc) =	sbr.abs _section_cstart, $3  }
0xc0: {  	[dreg:$0x1] =	wrdreg $0xFFFFFFFF  }
0xc1: {  	_ =	task.clear_ibuf [dreg:s6], $0x2FFFF;
	_ =	strace $0x9FFFFFFF  }
0xc2: {  	(tm) =	ssettm $0x7FFFFFFF  }
0xc3: {  	_ =	shalt  }
tec
execute0_lowered:
.L_overlay_start_1:
0x0: {  	(tag) =	ssettag $0x1  }
0x1: {  	s4 =	rddreg [dreg:$0x0];
	s0 =	srdreg.scid  }
0x2: {  	s2 =	rddreg [dreg:$0x1];
	s1 =	stileid.u32;
	s3 =	simm.s32 $0x0  }
0x3: {  	s14 =	simm.s32 $0x4100;
	s15 =	simm.s32 $0x4180;
	s7 =	smul.u32 $0xA00, s1  }
0x4: {  	s16 =	simm.s32 $0x4200;
	s17 =	simm.s32 $0x1;
	s21 =	smul.u32 $0x2800, s1  }
0x5: {  	s5 =	sand.u32 $0x1, s0;
	s0 =	rddreg [dreg:$0x2];
	s9 =	smul.u32 $0x50000, s1  }
0x6: {  	s18 =	simm.s32 $0x2;
	[smem:$0x7FF] =	sst s3;
	s6 =	smul.u32 $0x27100, s5  }
0x7: {  	s31 =	sshll.u32 s1, $0x6;
	_ =	strace $0x8000004D;
	s28 =	smul.u32 $0x28000, s5  }
0x8: {  	s5 =	ssub.s32 $0x2, s5;
	s7 =	sadd.s32 s7, s4;
	s10 =	sadd.s32 s21, s4  }
0x9: {  	s29 =	sshrl.u32 s5, $0x1;
	s30 =	sshrl.u32 s9, $0x2;
	s8 =	sadd.s32 s6, s4  }
0xa: {  	s11 =	sadd.s32 s28, s4;
	s12 =	ssub.s32 s5, s29;
	s13 =	sadd.s32 s30, s2  }
0xb: {  	s4 =	sadd.s32 $0xBE00, s10;
	s5 =	sor.u32 $0x1C03, s31;
	s6 =	sadd.s32 $0xDCA00, s7  }
0xc: {  	s7 =	sadd.s32 $0xD2A00, s7;
	s8 =	sadd.s32 $0x84600, s8;
	s22 =	sadd.s32 $0x33E00, s11  }
0xd: {  	s9 =	smax.u32 s12, $0x1;
	s10 =	sshrl.u32 s13, $0x3;
	s11 =	simm.s32 $0x3  }
0xe: {  	s12 =	simm.s32 $0x80;
	s13 =	simm.s32 $0x100;
	s19 =	sadd.s32 $0x9D0, s6  }
0xf: {  	s20 =	sadd.s32 $0x9D0, s7;
	s21 =	sadd.s32 s21, s22;
	s22 =	simm.s32 $0x0  }
.LBB2_1:
0x10: {  	[spmem:s10], [sflag:s5] =	dma.local [hbm:s4], $0x2800  }
0x11: {  	_ =	swait.ge [sflag:s11], $0x2800  }
0x12: {  	[sflag:s11] =	ssyncset.done $0x0  }
0x13: {  	[sflag:s11] =	ssyncadd.s32 $0xFFFFD800  }
0x14: {  	[bflag:$0x0] =	sbarrier.arrive $0xFFFF  }
0x15: {  	[tilespmem:s3], [sflag:$0x3] =	stream.linear.gather [hbm4b:s6+s3], $0x80, $0x38;
	[tilespmem:$0x1C200] =	vst v63  }
0x16: {  	_ =	swait.ge [sflag:s11], $0x80  }
0x17: {  	[sflag:s11] =	ssyncset.done $0x0  }
0x18: {  	[sflag:s11] =	ssyncadd.s32 $0xFFFFFF80  }
0x19: {  	[tilespmem:s12], [sflag:$0x3] =	stream.linear.gather [hbm4b:s7+s3], $0x80, $0x38;
	[tilespmem:$0x1C200] =	vst v63  }
0x1a: {  	_ =	swait.ge [sflag:s11], $0x80  }
0x1b: {  	[sflag:s11] =	ssyncset.done $0x0  }
0x1c: {  	s23 =	sadd.s32 $0xFFFFF640, s6;
	[sflag:s11] =	ssyncadd.s32 $0xFFFFFF80  }
0x1d: {  	[tilespmem:s13], [sflag:$0x1] =	stream.indirect.gather [hbm4b:s8+s12], $0x80, s3, s12, $0xb8;
	[tilespmem:$0x1C200] =	vst v63  }
0x1e: {  	s24 =	sadd.s32 $0x9D0, s23  }
0x1f: {  	[tilespmem:s14], [sflag:$0x3] =	stream.linear.gather [hbm4b:s24+s3], $0x80, $0x38;
	[tilespmem:$0x1C200] =	vst v63  }
0x20: {  	_ =	swait.ge [sflag:s11], $0x80  }
0x21: {  	s30 =	sadd.s32 $0xFFFFF640, s7;
	[sflag:s11] =	ssyncset.done $0x0  }
0x22: {  	s25 =	sadd.s32 $0x9D0, s30;
	[sflag:s11] =	ssyncadd.s32 $0xFFFFFF80  }
0x23: {  	[tilespmem:s15], [sflag:$0x3] =	stream.linear.gather [hbm4b:s25+s3], $0x80, $0x38;
	[tilespmem:$0x1C200] =	vst v63  }
0x24: {  	_ =	swait.ge [sflag:s11], $0x80  }
0x25: {  	[sflag:s11] =	ssyncset.done $0x0  }
0x26: {  	[sflag:s11] =	ssyncadd.s32 $0xFFFFFF80  }
0x27: {  	[tilespmem:s16], [sflag:$0x2] =	stream.indirect.gather [hbm4b:s8+s12], $0x80, s14, s12, $0xb8;
	[tilespmem:$0x1C200] =	vst v63  }
0x28: {  	_ =	swait.ge [sflag:s17], $0x4000  }
0x29: {  	[sflag:s17] =	ssyncset.done $0x0  }
0x2a: {  	[sflag:s17] =	ssyncadd.s32 $0xFFFFC000  }
0x2b: {  	[spmem:s2] =	stream.indirect.scatter.add.f32 [tilespmem:s13], [sflag:$0x3], $0x80, s12, s12, $0xb8;
	[tilespmem:$0x1C200] =	vst v63  }
0x2c: {  	_ =	swait.ge [sflag:s11], $0x4000  }
0x2d: {  	[sflag:s11] =	ssyncset.done $0x0  }
0x2e: {  	s23 =	sadd.s32 $0x9E0, s23;
	[sflag:s11] =	ssyncadd.s32 $0xFFFFC000  }
0x2f: {  	[tilespmem:s3], [sflag:$0x3] =	stream.linear.gather [hbm4b:s23+s3], $0x80, $0x38;
	[tilespmem:$0x1C200] =	vst v63  }
0x30: {  	_ =	swait.ge [sflag:s11], $0x80  }
0x31: {  	[sflag:s11] =	ssyncset.done $0x0  }
0x32: {  	s31 =	sadd.s32 $0x9E0, s30;
	[sflag:s11] =	ssyncadd.s32 $0xFFFFFF80  }
0x33: {  	[tilespmem:s12], [sflag:$0x3] =	stream.linear.gather [hbm4b:s31+s3], $0x80, $0x38;
	[tilespmem:$0x1C200] =	vst v63  }
0x34: {  	_ =	swait.ge [sflag:s11], $0x80  }
0x35: {  	[sflag:s11] =	ssyncset.done $0x0  }
0x36: {  	[sflag:s11] =	ssyncadd.s32 $0xFFFFFF80  }
0x37: {  	[tilespmem:s13], [sflag:$0x1] =	stream.indirect.gather [hbm4b:s8+s12], $0x80, s3, s12, $0xb8;
	[tilespmem:$0x1C200] =	vst v63  }
0x38: {  	_ =	swait.ge [sflag:s18], $0x4000  }
0x39: {  	[sflag:s18] =	ssyncset.done $0x0  }
0x3a: {  	[sflag:s18] =	ssyncadd.s32 $0xFFFFC000  }
0x3b: {  	[spmem:s2] =	stream.indirect.scatter.add.f32 [tilespmem:s16], [sflag:$0x3], $0x80, s15, s12, $0xb8;
	[tilespmem:$0x1C200] =	vst v63  }
0x3c: {  	s26 =	simm.s32 $0xFFFFF680;
	_ =	swait.ge [sflag:s11], $0x4000  }
0x3d: {  	s25 =	sadd.s32 $0xFFFFF660, s6;
	s23 =	simm.s32 $0xFFFFF660;
	[sflag:s11] =	ssyncset.done $0x0  }
.LBB2_2:
0x3e: {  	s28 =	sadd.s32 $0x9D0, s25  }
0x3f: {  	[sflag:s11] =	ssyncadd.s32 $0xFFFFC000;
	s29 =	smov.u32 s26;
	s24 =	sadd.s32 $0x20, s26  }
0x40: {  	[tilespmem:s14], [sflag:$0x3] =	stream.linear.gather [hbm4b:s28+s3], $0x80, $0x38;
	[tilespmem:$0x1C200] =	vst v63  }
0x41: {  	p0 =	sne.s32 s26, $0xFFFFFFE0;
	_ =	swait.ge [sflag:s11], $0x80  }
0x42: {  	s26 =	sadd.s32 s23, s7;
	s23 =	smov.u32 s29;
	[sflag:s11] =	ssyncset.done $0x0  }
0x43: {  	s28 =	sadd.s32 $0x9D0, s26;
	[sflag:s11] =	ssyncadd.s32 $0xFFFFFF80  }
0x44: {  	[tilespmem:s15], [sflag:$0x3] =	stream.linear.gather [hbm4b:s28+s3], $0x80, $0x38;
	[tilespmem:$0x1C200] =	vst v63  }
0x45: {  	_ =	swait.ge [sflag:s11], $0x80  }
0x46: {  	[sflag:s11] =	ssyncset.done $0x0  }
0x47: {  	[sflag:s11] =	ssyncadd.s32 $0xFFFFFF80  }
0x48: {  	[tilespmem:s16], [sflag:$0x2] =	stream.indirect.gather [hbm4b:s8+s12], $0x80, s14, s12, $0xb8;
	[tilespmem:$0x1C200] =	vst v63  }
0x49: {  	_ =	swait.ge [sflag:s17], $0x4000  }
0x4a: {  	[sflag:s17] =	ssyncset.done $0x0  }
0x4b: {  	[sflag:s17] =	ssyncadd.s32 $0xFFFFC000  }
0x4c: {  	[spmem:s2] =	stream.indirect.scatter.add.f32 [tilespmem:s13], [sflag:$0x3], $0x80, s12, s12, $0xb8;
	[tilespmem:$0x1C200] =	vst v63  }
0x4d: {  	_ =	swait.ge [sflag:s11], $0x4000  }
0x4e: {  	[sflag:s11] =	ssyncset.done $0x0  }
0x4f: {  	s25 =	sadd.s32 $0x9E0, s25;
	[sflag:s11] =	ssyncadd.s32 $0xFFFFC000  }
0x50: {  	[tilespmem:s3], [sflag:$0x3] =	stream.linear.gather [hbm4b:s25+s3], $0x80, $0x38;
	[tilespmem:$0x1C200] =	vst v63  }
0x51: {  	_ =	swait.ge [sflag:s11], $0x80  }
0x52: {  	[sflag:s11] =	ssyncset.done $0x0  }
0x53: {  	s25 =	sadd.s32 $0x9E0, s26;
	[sflag:s11] =	ssyncadd.s32 $0xFFFFFF80  }
0x54: {  	[tilespmem:s12], [sflag:$0x3] =	stream.linear.gather [hbm4b:s25+s3], $0x80, $0x38;
	[tilespmem:$0x1C200] =	vst v63  }
0x55: {  	_ =	swait.ge [sflag:s11], $0x80  }
0x56: {  	[sflag:s11] =	ssyncset.done $0x0  }
0x57: {  	[sflag:s11] =	ssyncadd.s32 $0xFFFFFF80  }
0x58: {  	[tilespmem:s13], [sflag:$0x1] =	stream.indirect.gather [hbm4b:s8+s12], $0x80, s3, s12, $0xb8;
	[tilespmem:$0x1C200] =	vst v63  }
0x59: {  	_ =	swait.ge [sflag:s18], $0x4000  }
.Ltmp0:
0x5a: {  	[sflag:s18] =	ssyncset.done $0x0;
	(pc) =	sbr.rel @p0 .LBB2_2-.Ltmp0, $4  }
0x5b: {  	[sflag:s18] =	ssyncadd.s32 $0xFFFFC000  }
0x5c: {  	[spmem:s2] =	stream.indirect.scatter.add.f32 [tilespmem:s16], [sflag:$0x3], $0x80, s15, s12, $0xb8;
	[tilespmem:$0x1C200] =	vst v63  }
0x5d: {  	_ =	swait.ge [sflag:s11], $0x4000  }
0x5e: {  	s26 =	smov.u32 s24;
	s25 =	sadd.s32 s23, s6;
	[sflag:s11] =	ssyncset.done $0x0  }
0x5f: {  	s24 =	sadd.s32 $0x9D0, s25;
	[sflag:s11] =	ssyncadd.s32 $0xFFFFC000  }
0x60: {  	[tilespmem:s14], [sflag:$0x3] =	stream.linear.gather [hbm4b:s24+s3], $0x80, $0x38;
	[tilespmem:$0x1C200] =	vst v63  }
0x61: {  	_ =	swait.ge [sflag:s11], $0x80  }
0x62: {  	s23 =	sadd.s32 s23, s7;
	[sflag:s11] =	ssyncset.done $0x0  }
0x63: {  	s30 =	sadd.s32 $0x9D0, s23;
	[sflag:s11] =	ssyncadd.s32 $0xFFFFFF80  }
0x64: {  	[tilespmem:s15], [sflag:$0x3] =	stream.linear.gather [hbm4b:s30+s3], $0x80, $0x38;
	[tilespmem:$0x1C200] =	vst v63  }
0x65: {  	_ =	swait.ge [sflag:s11], $0x80  }
0x66: {  	[sflag:s11] =	ssyncset.done $0x0  }
0x67: {  	[sflag:s11] =	ssyncadd.s32 $0xFFFFFF80  }
0x68: {  	[tilespmem:s16], [sflag:$0x2] =	stream.indirect.gather [hbm4b:s8+s12], $0x80, s14, s12, $0xb8;
	[tilespmem:$0x1C200] =	vst v63  }
0x69: {  	_ =	swait.ge [sflag:s17], $0x4000  }
0x6a: {  	[sflag:s17] =	ssyncset.done $0x0  }
0x6b: {  	[sflag:s17] =	ssyncadd.s32 $0xFFFFC000  }
0x6c: {  	[spmem:s2] =	stream.indirect.scatter.add.f32 [tilespmem:s13], [sflag:$0x3], $0x80, s12, s12, $0xb8;
	[tilespmem:$0x1C200] =	vst v63  }
0x6d: {  	_ =	swait.ge [sflag:s11], $0x4000  }
0x6e: {  	[sflag:s11] =	ssyncset.done $0x0  }
0x6f: {  	s31 =	sadd.s32 $0x9E0, s25;
	[sflag:s11] =	ssyncadd.s32 $0xFFFFC000  }
0x70: {  	[tilespmem:s3], [sflag:$0x3] =	stream.linear.gather [hbm4b:s31+s3], $0x80, $0x38;
	[tilespmem:$0x1C200] =	vst v63  }
0x71: {  	_ =	swait.ge [sflag:s11], $0x80  }
0x72: {  	[sflag:s11] =	ssyncset.done $0x0  }
0x73: {  	s23 =	sadd.s32 $0x9E0, s23;
	[sflag:s11] =	ssyncadd.s32 $0xFFFFFF80  }
0x74: {  	[tilespmem:s12], [sflag:$0x3] =	stream.linear.gather [hbm4b:s23+s3], $0x80, $0x38;
	[tilespmem:$0x1C200] =	vst v63  }
0x75: {  	_ =	swait.ge [sflag:s11], $0x80  }
0x76: {  	[sflag:s11] =	ssyncset.done $0x0  }
0x77: {  	[sflag:s11] =	ssyncadd.s32 $0xFFFFFF80  }
0x78: {  	[tilespmem:s13], [sflag:$0x1] =	stream.indirect.gather [hbm4b:s8+s12], $0x80, s3, s12, $0xb8;
	[tilespmem:$0x1C200] =	vst v63  }
0x79: {  	_ =	swait.ge [sflag:s18], $0x4000  }
0x7a: {  	[sflag:s18] =	ssyncset.done $0x0  }
0x7b: {  	[sflag:s18] =	ssyncadd.s32 $0xFFFFC000  }
0x7c: {  	[spmem:s2] =	stream.indirect.scatter.add.f32 [tilespmem:s16], [sflag:$0x3], $0x80, s15, s12, $0xb8;
	[tilespmem:$0x1C200] =	vst v63  }
0x7d: {  	_ =	swait.ge [sflag:s11], $0x4000  }
0x7e: {  	[sflag:s11] =	ssyncset.done $0x0  }
0x7f: {  	[sflag:s11] =	ssyncadd.s32 $0xFFFFC000  }
0x80: {  	[tilespmem:s14], [sflag:$0x3] =	stream.linear.gather [hbm4b:s19+s3], $0x80, $0x38;
	[tilespmem:$0x1C200] =	vst v63  }
0x81: {  	_ =	swait.ge [sflag:s11], $0x80  }
0x82: {  	[sflag:s11] =	ssyncset.done $0x0  }
0x83: {  	[sflag:s11] =	ssyncadd.s32 $0xFFFFFF80  }
0x84: {  	[tilespmem:s15], [sflag:$0x3] =	stream.linear.gather [hbm4b:s20+s3], $0x80, $0x38;
	[tilespmem:$0x1C200] =	vst v63  }
0x85: {  	_ =	swait.ge [sflag:s11], $0x80  }
0x86: {  	[sflag:s11] =	ssyncset.done $0x0  }
0x87: {  	[sflag:s11] =	ssyncadd.s32 $0xFFFFFF80  }
0x88: {  	[tilespmem:s16], [sflag:$0x2] =	stream.indirect.gather [hbm4b:s8+s12], $0x80, s14, s12, $0xb8;
	[tilespmem:$0x1C200] =	vst v63  }
0x89: {  	_ =	swait.ge [sflag:s17], $0x4000  }
0x8a: {  	[sflag:s17] =	ssyncset.done $0x0  }
0x8b: {  	[sflag:s17] =	ssyncadd.s32 $0xFFFFC000  }
0x8c: {  	[spmem:s2] =	stream.indirect.scatter.add.f32 [tilespmem:s13], [sflag:$0x3], $0x80, s12, s12, $0xb8;
	[tilespmem:$0x1C200] =	vst v63  }
0x8d: {  	_ =	swait.ge [sflag:s11], $0x4000  }
0x8e: {  	[sflag:s11] =	ssyncset.done $0x0  }
0x8f: {  	[sflag:s11] =	ssyncadd.s32 $0xFFFFC000  }
0x90: {  	_ =	swait.ge [sflag:s18], $0x4000  }
0x91: {  	[sflag:s18] =	ssyncset.done $0x0  }
0x92: {  	[sflag:s18] =	ssyncadd.s32 $0xFFFFC000  }
0x93: {  	[spmem:s2] =	stream.indirect.scatter.add.f32 [tilespmem:s16], [sflag:$0x3], $0x80, s15, s12, $0xb8;
	[tilespmem:$0x1C200] =	vst v63  }
0x94: {  	_ =	swait.ge [sflag:s11], $0x4000  }
0x95: {  	s22 =	sadd.s32 $0x1, s22;
	[sflag:s11] =	ssyncset.done $0x0  }
0x96: {  	p0 =	sne.s32 s22, s9;
	[sflag:s11] =	ssyncadd.s32 $0xFFFFC000  }
.Ltmp1:
0x97: {  	[bflag:$0x0] =	sbarrier.arrive $0xFFFF;
	(pc) =	sbr.rel @p0 .LBB2_1-.Ltmp1, $4  }
0x98: {  	[hbm:s21], [sflag:s5] =	dma.local [spmem:s10], $0x2800  }
0x99: {  	_ =	swait.ge [sflag:s11], $0x2800  }
0x9a: {  	[sflag:s11] =	ssyncset.done $0x0  }
0x9b: {  	[sflag:s11] =	ssyncadd.s32 $0xFFFFD800  }
0x9c: {  	_ =	sfence.sel $0x180000  }
0x9d: {  	[bflag:$0x0] =	sbarrier.arrive $0xFFFF  }
0x9e: {  	p0 =	sne.s32 s1, $0x0;
	_ =	strace $0x9000004D  }
0x9f: {  	s0 =	sadd.s32 @!p0 $0x100000, s0;
	[bflag:$0x2] =	sbarrier.arrive $0xFFFF  }
0xa0: {  	[sflag:s0] =	ssyncadd.tile.s32 @!p0 $0x1;
	_ =	shalt  }
.Lfunc_end2:
_tile_overlayer_lowered:
.L_overlay_start_2:
0xa1: {  	(tag) =	ssettag $0x2  }
0xa2: {  	s0 =	rddreg [dreg:$0x0];
	s2 =	stileid.u32  }
0xa3: {  	s1 =	rddreg [dreg:$0x1];
	p0 =	sne.s32 s2, $0x0  }
0xa4: {  	s3 =	rddreg [dreg:$0x2];
	[bflag:$0x3] =	sbarrier.arrive $0xFFFF;
	s2 =	simm.s32 @!p0 $0x1C03  }
0xa5: {  	[timem:s3], [sflag:s2] =	dma.local @!p0 [hbm:s0], s1  }
0xa6: {  	s0 =	simm.s32 @!p0 $0x3  }
0xa7: {  	_ =	swait.ge @!p0 [sflag:s0], s1  }
0xa8: {  	s1 =	ssub.s32 @!p0 $0x0, s1;
	[sflag:s0] =	ssyncset.done @!p0 $0x0  }
0xa9: {  	[sflag:s0] =	ssyncadd.s32 @!p0 s1  }
0xaa: {  	[bflag:$0x3] =	sbarrier.arrive $0xFFFF  }
0xab: {  	_ =	shalt  }

// kernel: kernel.9.cloned.1.call-start
scs
__scs_entry_jumppad:
0x0: {  	(pc) =	sbr.rel $0x88, $3  }
0x1: {  	(tag) =	ssettag $0x0;
	lr =	simm.s32 $0x1  }
0x2: {  	[smem:$0x3F99] =	sst lr;
	_ =	strace $0xD0000000  }
0x3: {  	_ = 	snop  }
0x4: {  	_ = 	snop  }
0x5: {  	_ = 	snop  }
0x6: {  	_ = 	snop  }
0x7: {  	_ = 	snop  }
__scs_overlays_trampoline_lowered:
0x8: {  	[smem:$0x3FA8] =	sst s0  }
0x9: {  	[smem:$0x3FA9] =	sst s1  }
0xa: {  	[smem:$0x3FAA] =	sst s2  }
0xb: {  	[smem:$0x3FAB] =	sst s3  }
0xc: {  	[smem:$0x3FAC] =	sst s4  }
0xd: {  	[smem:$0x3FAD] =	sst s5  }
0xe: {  	[smem:$0x3FAE] =	sst s6  }
0xf: {  	[smem:$0x3FAF] =	sst s7  }
0x10: {  	[smem:$0x3FB0] =	sst s8  }
0x11: {  	[smem:$0x3FB1] =	sst s9;
	s0 =	simm.s32 @!p0 $0x0  }
0x12: {  	s1 =	sld [smem:$0x3F97];
	s0 =	simm.s32 @p0 $0x1  }
0x13: {  	[smem:$0x3FB2] =	sst s0;
	s0 =	simm.s32 @!p1 $0x0  }
0x14: {  	s2 =	sld [smem:$0x3F96];
	s0 =	simm.s32 @p1 $0x1  }
0x15: {  	[smem:$0x3FB3] =	sst s0;
	s0 =	simm.s32 @!p2 $0x0  }
0x16: {  	s3 =	sld [smem:$0x3FDB];
	s0 =	simm.s32 @p2 $0x1  }
0x17: {  	s4 =	simm.s32 $0x1BF5;
	[smem:$0x3FB5] =	sst s0  }
0x18: {  	s0 =	sld [smem:$0x3F98];
	_ =	swait.ge [sflag:s4], $0x0  }
0x19: {  	s7 =	sld [smem:$0x3F99]  }
0x1a: {  	s8 =	sadd.s32 $0xFFFFE003, lr  }
0x1b: {  	s9 =	sadd.s32 $0xFFFFFEF7, lr;
	s5 =	simm.s32 $0xFFFFFFFF;
	p2 =	slt.u32 s8, $0xFFFFF086  }
0x1c: {  	p1 =	slt.u32 s9, $0xF7A;
	s5 =	simm.s32 @!p2 $0x0  }
0x1d: {  	s5 =	simm.s32 @p1 $0x1;
	p0 =	seq.s32 s7, s2  }
0x1e: {  	s7 =	smul.u32 @!p0 $0xF7A, s2;
	p2 =	seq.s32 @!p0 s5, $0x0  }
0x1f: {  	s9 =	smul.u32 $0xF7A, s1;
	s8 =	simm.s32 @!p0 $0x1BF5;
	p2 =	por !p2, p0  }
0x20: {  	[sflag:s8] =	ssyncset.s32 @!p0 $0xFFFFF086;
	s6 =	sadd.s32 @!p0 s3, s7;
	s7 =	simm.s32 @!p0 $0x108  }
0x21: {  	s3 =	sadd.s32 s3, s9;
	s6 =	sadd.s32 @!p0 $0x88, s6;
	s7 =	simm.s32 @p2 $0x1082  }
0x22: {  	[simem:s7], [sflag:s8] =	dma.local @!p0 [hbm:s6], $0xF7A  }
0x23: {  	s9 =	sor.u32 $0xD0000000, s2;
	s6 =	simm.s32 $0x108;
	_ =	swait.ge @!p0 [sflag:s8], $0x0  }
0x24: {  	s3 =	sadd.s32 $0x88, s3;
	s6 =	simm.s32 @!p1 $0x1082;
	[sflag:s4] =	ssyncset.s32 $0xFFFFF086  }
0x25: {  	[simem:s6], [sflag:s4] =	dma.local [hbm:s3], $0xF7A  }
0x26: {  	[smem:$0x3F99] =	sst s1;
	(tag) =	ssettag s2;
	_ =	strace s9  }
0x27: {  	s1 =	sld [smem:$0x3FA9]  }
0x28: {  	s2 =	sld [smem:$0x3FAA]  }
0x29: {  	s4 =	sld [smem:$0x3FAC]  }
0x2a: {  	p0 =	seq.s32 s5, $0x0;
	s5 =	sld [smem:$0x3FAD]  }
0x2b: {  	s6 =	sld [smem:$0x3FAE]  }
0x2c: {  	s7 =	sld [smem:$0x3FAF]  }
0x2d: {  	s3 =	simm.s32 $0x108;
	s8 =	sld [smem:$0x3FB0]  }
0x2e: {  	s3 =	simm.s32 @!p0 $0x1082;
	s9 =	sld [smem:$0x3FB1]  }
0x2f: {  	lr =	sadd.s32 s0, s3;
	s0 =	sld [smem:$0x3FA8]  }
0x30: {  	s3 =	sld [smem:$0x3FAB]  }
0x31: {  	[smem:$0x3FB4] =	sst s10  }
0x32: {  	s10 =	sld [smem:$0x3FB2];
	_ =	sdelay $0x3  }
0x33: {  	p0 =	seq.s32 s10, $0x1;
	s10 =	sld [smem:$0x3FB4];
	_ =	sdelay $0x3  }
0x34: {  	[smem:$0x3FB4] =	sst s10  }
0x35: {  	s10 =	sld [smem:$0x3FB3];
	_ =	sdelay $0x3  }
0x36: {  	p1 =	seq.s32 s10, $0x1;
	s10 =	sld [smem:$0x3FB4];
	_ =	sdelay $0x3  }
0x37: {  	[smem:$0x3FB4] =	sst s10  }
0x38: {  	s10 =	sld [smem:$0x3FB5]  }
0x39: {  	_ = 	snop;
	(pc) =	sbr.ind lr, $3  }
0x3a: {  	_ = 	snop  }
0x3b: {  	_ = 	snop  }
0x3c: {  	p2 =	seq.s32 s10, $0x1;
	s10 =	sld [smem:$0x3FB4]  }
0x3d: {  	_ =	shalt  }
0x3e: {  	_ =	shalt  }
0x3f: {  	_ =	shalt  }
0x40: {  	_ =	shalt  }
0x41: {  	_ =	shalt  }
0x42: {  	_ =	shalt  }
0x43: {  	_ =	shalt  }
0x44: {  	_ =	shalt  }
0x45: {  	_ =	shalt  }
0x46: {  	_ =	shalt  }
0x47: {  	_ =	shalt  }
0x48: {  	_ =	shalt  }
0x49: {  	_ =	shalt  }
0x4a: {  	_ =	shalt  }
0x4b: {  	_ =	shalt  }
0x4c: {  	_ =	shalt  }
0x4d: {  	_ =	shalt  }
0x4e: {  	_ =	shalt  }
0x4f: {  	_ =	shalt  }
0x50: {  	_ =	shalt  }
0x51: {  	_ =	shalt  }
0x52: {  	_ =	shalt  }
0x53: {  	_ =	shalt  }
0x54: {  	_ =	shalt  }
0x55: {  	_ =	shalt  }
0x56: {  	_ =	shalt  }
0x57: {  	_ =	shalt  }
0x58: {  	_ =	shalt  }
0x59: {  	_ =	shalt  }
0x5a: {  	_ =	shalt  }
0x5b: {  	_ =	shalt  }
0x5c: {  	_ =	shalt  }
0x5d: {  	_ =	shalt  }
0x5e: {  	_ =	shalt  }
0x5f: {  	_ =	shalt  }
0x60: {  	_ =	shalt  }
0x61: {  	_ =	shalt  }
0x62: {  	_ =	shalt  }
0x63: {  	_ =	shalt  }
0x64: {  	_ =	shalt  }
0x65: {  	_ =	shalt  }
0x66: {  	_ =	shalt  }
0x67: {  	_ =	shalt  }
0x68: {  	_ =	shalt  }
0x69: {  	_ =	shalt  }
0x6a: {  	_ =	shalt  }
0x6b: {  	_ =	shalt  }
0x6c: {  	_ =	shalt  }
0x6d: {  	_ =	shalt  }
0x6e: {  	_ =	shalt  }
0x6f: {  	_ =	shalt  }
0x70: {  	_ =	shalt  }
0x71: {  	_ =	shalt  }
0x72: {  	_ =	shalt  }
0x73: {  	_ =	shalt  }
0x74: {  	_ =	shalt  }
0x75: {  	_ =	shalt  }
0x76: {  	_ =	shalt  }
0x77: {  	_ =	shalt  }
0x78: {  	_ =	shalt  }
0x79: {  	_ =	shalt  }
0x7a: {  	_ =	shalt  }
0x7b: {  	_ =	shalt  }
0x7c: {  	_ =	shalt  }
0x7d: {  	_ =	shalt  }
0x7e: {  	_ =	shalt  }
0x7f: {  	_ =	shalt  }
0x80: {  	_ =	shalt  }
0x81: {  	_ =	shalt  }
0x82: {  	_ =	shalt  }
0x83: {  	_ =	shalt  }
0x84: {  	_ =	shalt  }
0x85: {  	_ =	shalt  }
0x86: {  	_ =	shalt  }
0x87: {  	_ =	shalt  }
.Lfunc_end0:
.L_simem_size_0:
called_computation_lowered:
.L_overlay_start_0:
0x88: {  	s2 =	sld [smem:$0x3FD9]  }
0x89: {  	s3 =	sld [smem:$0x3FFE];
	_ =	sdelay $0x1  }
0x8a: {  	s1 =	srdreg.scid  }
0x8b: {  	s0 =	sand.u32 $0x1, s1  }
0x8c: {  	s16 =	sshll.u32 s0, $0xA;
	s2 =	sadd.s32 s3, s2  }
0x8d: {  	s2 =	sadd.s32 s2, s16  }
0x8e: {  	[smem:$0x3FC0] =	sst s2  }
0x8f: {  	_ = 	snop  }
0x90: {  	(tm) =	ssettm $0x1  }
0x91: {  	s17 =	sld [smem:$0x3FFB];
	_ =	sdelay $0x3  }
0x92: {  	_ =	strace s17  }
0x93: {  	s2 =	sld [smem:$0x3FFC];
	_ =	sdelay $0x3  }
0x94: {  	_ =	strace s2  }
0x95: {  	s2 =	sld [smem:$0x3FFD];
	_ =	sdelay $0x3  }
0x96: {  	_ =	strace s2  }
0x97: {  	_ =	strace $0x8FFFFFFF  }
0x98: {  	s18 =	sld [smem:$0x3FDB];
	_ =	sdelay $0x1  }
0x99: {  	s19 =	simm.s32 $_scs_section_size  }
0x9a: {  	s4 =	simm.s32 $_size__tile_overlayer_lowered;
	s5 =	simm.s32 $_tile_overlayer_lowered  }
0x9b: {  	s22 =	simm.s32 $0x1BFF;
	s21 =	sshll.u32 s5, $0x1;
	s2 =	sadd.s32 s19, s18  }
0x9c: {  	s6 =	simm.s32 $0x0;
	s20 =	sshll.u32 s4, $0x1;
	s4 =	sadd.s32 s21, s2  }
0x9d: {  	[timem:s6], [sflag:s22] =	dma.local [hbm:s4], s20  }
0x9e: {  	_ =	swait.ge [sflag:s22], s20  }
0x9f: {  	s3 =	ssub.s32 $0x0, s20;
	[sflag:s22] =	ssyncset.done $0x0  }
0xa0: {  	[sflag:s22] =	ssyncadd.s32 s3;
	_ =	sdelay $0x1  }
0xa1: {  	s23 =	simm.s32 $0x1B8B  }
0xa2: {  	_ =	swait.ge [sflag:s23], $0x1  }
0xa3: {  	[sflag:s23] =	ssyncset.done $0x0  }
0xa4: {  	s25 =	simm.s32 $0x1B8E;
	s24 =	sld [smem:$0x3FFE];
	[sflag:s23] =	ssyncadd.s32 $0xFFFFFFFF  }
0xa5: {  	s26 =	simm.s32 $execute0_lowered;
	[smem:$0x3FD2] =	sst s25  }
0xa6: {  	s4 =	sshll.u32 s26, $0x1;
	_ =	strace $0x80000046;
	[dreg:$0x1] =	wrdreg $0xFFFFFFFF  }
0xa7: {  	s28 =	simm.s32 $_size_execute0_lowered;
	s2 =	sadd.s32 s2, s4;
	[dreg:$0x0] =	wrdreg $0x0  }
0xa8: {  	s4 =	sshll.u32 s28, $0x1;
	[dreg:$0x2] =	wrdreg s2  }
0xa9: {  	[dreg:$0x3] =	wrdreg s4  }
0xaa: {  	[dreg:$0x4] =	wrdreg $0xC0  }
0xab: {  	_ =	task [dreg:s6], $0x5FFFF  }
0xac: {  	[dreg:$0x1] =	wrdreg $0xFFFFFFFF  }
0xad: {  	[dreg:$0x0] =	wrdreg $0x60  }
0xae: {  	[dreg:$0x2] =	wrdreg s24  }
0xaf: {  	[dreg:$0x3] =	wrdreg $0x40800  }
0xb0: {  	[dreg:$0x4] =	wrdreg $0x9  }
0xb1: {  	_ =	task.clear_ibuf [dreg:s6], $0x5FFFF;
	_ =	strace $0x90000046  }
0xb2: {  	s29 =	simm.s32 $0x9;
	_ =	strace $0x80000048  }
0xb3: {  	_ =	swait.ge [sflag:s29], $0x1  }
0xb4: {  	[sflag:s29] =	ssyncadd.s32 $0xFFFFFFFF  }
0xb5: {  	_ =	strace $0x90000048  }
0xb6: {  	_ =	sfence  }
0xb7: {  	s30 =	sld [smem:$0x0];
	_ =	sdelay $0x2  }
0xb8: {  	s31 =	sshll.u32 s1, $0xD;
	s1 =	sshrl.u32 s1, $0x2  }
0xb9: {  	s3 =	sand.u32 $0x4000, s31;
	s1 =	sadd.s32 s1, s30  }
0xba: {  	s0 =	sor.u32 s3, s0;
	s1 =	sshll.u32 s1, $0x11  }
0xbb: {  	s0 =	sor.u32 s1, s0  }
0xbc: {  	s0 =	sadd.s32 $0x8F2B, s0  }
0xbd: {  	[sflag:s0] =	ssyncadd.remote.s32 $0x1  }
0xbe: {  	_ =	sfence.sel $0xFFFF  }
0xbf: {  	[dreg:$0x0] =	wrdreg $0xFFFFFFFF;
	(pc) =	sbr.abs _section_cstart, $3  }
0xc0: {  	[dreg:$0x1] =	wrdreg $0xFFFFFFFF  }
0xc1: {  	_ =	task.clear_ibuf [dreg:s6], $0x2FFFF;
	_ =	strace $0x9FFFFFFF  }
0xc2: {  	(tm) =	ssettm $0x7FFFFFFF  }
0xc3: {  	_ =	shalt  }
tec
execute0_lowered:
.L_overlay_start_1:
0x0: {  	(tag) =	ssettag $0x1  }
0x1: {  	s5 =	rddreg [dreg:$0x0]  }
0x2: {  	s0 =	srdreg.scid;
	s2 =	rddreg [dreg:$0x1]  }
0x3: {  	s3 =	simm.s32 $0x0;
	s4 =	sand.u32 $0x1, s0;
	s0 =	stileid.u32  }
0x4: {  	[smem:$0x7FF] =	sst s3;
	s12 =	smul.u32 $0x2800, s0  }
0x5: {  	s1 =	sshll.u32 s4, $0x4;
	s7 =	smul.u32 $0x28000, s4;
	s8 =	ssub.s32 $0x2, s4  }
0x6: {  	s9 =	smul.u32 $0x50000, s0;
	s4 =	sadd.s32 $0x33E00, s5;
	s31 =	sshll.u32 s0, $0x6  }
0x7: {  	s6 =	sor.u32 s0, s1;
	s1 =	rddreg [dreg:$0x2];
	_ =	strace $0x80000047  }
0x8: {  	s11 =	sshrl.u32 s8, $0x1;
	s6 =	smul.u32 $0x500, s6;
	s10 =	sadd.s32 s12, s5  }
0x9: {  	s7 =	sadd.s32 s7, s5;
	s8 =	ssub.s32 s8, s11;
	s29 =	sshrl.u32 s9, $0x2  }
0xa: {  	s9 =	simm.s32 $0x1;
	s30 =	sadd.s32 s29, s2;
	s13 =	sadd.s32 $0x34600, s7  }
0xb: {  	s7 =	smax.u32 s8, $0x1;
	s8 =	simm.s32 $0x80;
	s6 =	sadd.s32 s6, s5  }
0xc: {  	s5 =	sadd.s32 $0xBE00, s10;
	s10 =	sor.u32 $0x1C01, s31;
	s11 =	sshrl.u32 s30, $0x3  }
0xd: {  	s12 =	sadd.s32 s12, s13;
	s13 =	simm.s32 $0x0;
	s6 =	sadd.s32 $0x1E00, s6  }
.LBB2_1:
0xe: {  	[tilespmem:s8], [sflag:$0x1] =	stream.linear.gather [hbm4b:s4+s3], $0x4000, $0x38;
	[tilespmem:$0x18080] =	vst v63  }
0xf: {  	_ =	swait.ge [sflag:s9], $0x4000  }
0x10: {  	[sflag:s9] =	ssyncset.done $0x0  }
0x11: {  	[sflag:s9] =	ssyncadd.s32 $0xFFFFC000  }
0x12: {  	[spmem:s11], [sflag:s10] =	dma.local [hbm:s5], $0x2800  }
0x13: {  	_ =	swait.ge [sflag:s9], $0x2800  }
0x14: {  	[sflag:s9] =	ssyncset.done $0x0  }
0x15: {  	[sflag:s9] =	ssyncadd.s32 $0xFFFFD800  }
0x16: {  	s14 =	sadd.s32 $0x0, s6;
	[bflag:$0x0] =	sbarrier.arrive $0xFFFF  }
0x17: {  	[tilespmem:s3], [sflag:$0x1] =	stream.linear.gather [hbm4b:s14+s3], $0x80, $0x38;
	[tilespmem:$0x18080] =	vst v63  }
0x18: {  	_ =	swait.ge [sflag:s9], $0x80  }
0x19: {  	[sflag:s9] =	ssyncset.done $0x0  }
0x1a: {  	[sflag:s9] =	ssyncadd.s32 $0xFFFFFF80  }
0x1b: {  	[spmem:s2] =	stream.indirect.scatter.add.f32 [tilespmem:s8], [sflag:$0x1], $0x80, s3, s8, $0xb8;
	[tilespmem:$0x18080] =	vst v63  }
0x1c: {  	_ =	swait.ge [sflag:s9], $0x4000  }
0x1d: {  	s15 =	simm.s32 $0x20;
	s14 =	simm.s32 $0x10;
	[sflag:s9] =	ssyncset.done $0x0  }
.LBB2_2:
0x1e: {  	s16 =	sadd.s32 s14, s6  }
0x1f: {  	[sflag:s9] =	ssyncadd.s32 $0xFFFFC000;
	s14 =	smov.u32 s15;
	s17 =	sadd.s32 $0x10, s15  }
0x20: {  	[tilespmem:s3], [sflag:$0x1] =	stream.linear.gather [hbm4b:s16+s3], $0x80, $0x38;
	[tilespmem:$0x18080] =	vst v63  }
0x21: {  	p0 =	sne.s32 s15, $0x4E0;
	_ =	swait.ge [sflag:s9], $0x80  }
.Ltmp0:
0x22: {  	[sflag:s9] =	ssyncset.done $0x0;
	(pc) =	sbr.rel @p0 .LBB2_2-.Ltmp0, $4  }
0x23: {  	[sflag:s9] =	ssyncadd.s32 $0xFFFFFF80  }
0x24: {  	[spmem:s2] =	stream.indirect.scatter.add.f32 [tilespmem:s8], [sflag:$0x1], $0x80, s3, s8, $0xb8;
	[tilespmem:$0x18080] =	vst v63  }
0x25: {  	_ =	swait.ge [sflag:s9], $0x4000  }
0x26: {  	s15 =	smov.u32 s17;
	[sflag:s9] =	ssyncset.done $0x0  }
0x27: {  	s14 =	sadd.s32 s14, s6;
	[sflag:s9] =	ssyncadd.s32 $0xFFFFC000  }
0x28: {  	[tilespmem:s3], [sflag:$0x1] =	stream.linear.gather [hbm4b:s14+s3], $0x80, $0x38;
	[tilespmem:$0x18080] =	vst v63  }
0x29: {  	_ =	swait.ge [sflag:s9], $0x80  }
0x2a: {  	[sflag:s9] =	ssyncset.done $0x0  }
0x2b: {  	[sflag:s9] =	ssyncadd.s32 $0xFFFFFF80  }
0x2c: {  	[spmem:s2] =	stream.indirect.scatter.add.f32 [tilespmem:s8], [sflag:$0x1], $0x80, s3, s8, $0xb8;
	[tilespmem:$0x18080] =	vst v63  }
0x2d: {  	_ =	swait.ge [sflag:s9], $0x4000  }
0x2e: {  	s13 =	sadd.s32 $0x1, s13;
	[sflag:s9] =	ssyncset.done $0x0  }
0x2f: {  	p0 =	sne.s32 s13, s7;
	[sflag:s9] =	ssyncadd.s32 $0xFFFFC000  }
.Ltmp1:
0x30: {  	[bflag:$0x0] =	sbarrier.arrive $0xFFFF;
	(pc) =	sbr.rel @p0 .LBB2_1-.Ltmp1, $4  }
0x31: {  	[hbm:s12], [sflag:s10] =	dma.local [spmem:s11], $0x2800  }
0x32: {  	_ =	swait.ge [sflag:s9], $0x2800  }
0x33: {  	[sflag:s9] =	ssyncset.done $0x0  }
0x34: {  	[sflag:s9] =	ssyncadd.s32 $0xFFFFD800  }
0x35: {  	_ =	sfence.sel $0x180000  }
0x36: {  	[bflag:$0x0] =	sbarrier.arrive $0xFFFF  }
0x37: {  	p0 =	sne.s32 s0, $0x0;
	_ =	strace $0x90000047  }
0x38: {  	s0 =	sadd.s32 @!p0 $0x100000, s1;
	[bflag:$0x2] =	sbarrier.arrive $0xFFFF  }
0x39: {  	[sflag:s0] =	ssyncadd.tile.s32 @!p0 $0x1;
	_ =	shalt  }
.Lfunc_end2:
_tile_overlayer_lowered:
.L_overlay_start_2:
0x3a: {  	(tag) =	ssettag $0x2  }
0x3b: {  	s0 =	rddreg [dreg:$0x0];
	s2 =	stileid.u32  }
0x3c: {  	s1 =	rddreg [dreg:$0x1];
	p0 =	sne.s32 s2, $0x0  }
0x3d: {  	s3 =	rddreg [dreg:$0x2];
	[bflag:$0x3] =	sbarrier.arrive $0xFFFF;
	s2 =	simm.s32 @!p0 $0x1C01  }
0x3e: {  	[timem:s3], [sflag:s2] =	dma.local @!p0 [hbm:s0], s1  }
0x3f: {  	s0 =	simm.s32 @!p0 $0x1  }
0x40: {  	_ =	swait.ge @!p0 [sflag:s0], s1  }
0x41: {  	s1 =	ssub.s32 @!p0 $0x0, s1;
	[sflag:s0] =	ssyncset.done @!p0 $0x0  }
0x42: {  	[sflag:s0] =	ssyncadd.s32 @!p0 s1  }
0x43: {  	[bflag:$0x3] =	sbarrier.arrive $0xFFFF  }
0x44: {  	_ =	shalt  }

</sc_bundles>
